<compile_context>
chip_gen: v7x
topology: tpu7x:2x2x1
jax: 0.10.2.dev20260603
libtpu: 0.0.44.dev20260713+nightly
codegen_flags: <defaults>
</compile_context>

<pallas_src>
import jax
import jax.numpy as jnp
from jax import lax
from jax.experimental import pallas as pl
from jax.experimental.pallas import tpu as pltpu
from jax.experimental.pallas import tpu_sc as plsc

BATCH = 16384
DIM = 16
SLAB = 128
VOCAB8 = 125000
NC = 2
NS = 16
NW = NC * NS
B_PER_W = BATCH // NW
HALF = B_PER_W // 2
CHUNK = 128
GRP = 16
N_GRP = HALF // GRP

TCOLS = 8192
TGRID = -(-1000000 // TCOLS)


def _tr_body(tab_t_ref, out_ref, scr_ref):
    scr_ref[...] = tab_t_ref[...].T
    out_ref[...] = jnp.concatenate([scr_ref[s::8, :] for s in range(8)],
                                   axis=1)


def _transpose_tc(tab_t):
    return pl.pallas_call(
        _tr_body,
        grid=(TGRID,),
        in_specs=[pl.BlockSpec((DIM, TCOLS), lambda k: (0, k))],
        out_specs=pl.BlockSpec((TCOLS // 8, SLAB), lambda k: (k, 0)),
        out_shape=jax.ShapeDtypeStruct((VOCAB8, SLAB), jnp.float32),
        scratch_shapes=[pltpu.VMEM((TCOLS, DIM), jnp.float32)],
    )(tab_t)


def _lane_perm(x, idx):
    return lax.gather(
        x, idx[:, None],
        lax.GatherDimensionNumbers(
            offset_dims=(), collapsed_slice_dims=(0,), start_index_map=(0,)),
        (1,), mode=lax.GatherScatterMode.PROMISE_IN_BOUNDS)


def _body(u_hbm, v_hbm, tab_hbm, out_hbm, idx_u, idx_v, slab_u, slab_v,
          slabs_u, slabs_v, out_buf, sem):
    wid = lax.axis_index("s") * NC + lax.axis_index("c")
    base = wid * B_PER_W

    pltpu.sync_copy(u_hbm.at[pl.ds(base, B_PER_W)], idx_u)
    pltpu.sync_copy(v_hbm.at[pl.ds(base, B_PER_W)], idx_v)

    def shift_step(i, carry):
        off = i * GRP
        slab_u[pl.ds(off, GRP)] = lax.shift_right_logical(
            idx_u[pl.ds(off, GRP)], 3)
        slab_v[pl.ds(off, GRP)] = lax.shift_right_logical(
            idx_v[pl.ds(off, GRP)], 3)
        return carry

    lax.fori_loop(0, B_PER_W // GRP, shift_step, 0)

    lanes = lax.iota(jnp.int32, GRP)

    for h in range(2):
        hoff = h * HALF
        copies = []
        for c in range(HALF // CHUNK):
            sl = pl.ds(hoff + c * CHUNK, CHUNK)
            dsl = pl.ds(c * CHUNK, CHUNK)
            copies.append(pltpu.async_copy(
                tab_hbm.at[slab_u.at[sl]], slabs_u.at[dsl], sem))
            copies.append(pltpu.async_copy(
                tab_hbm.at[slab_v.at[sl]], slabs_v.at[dsl], sem))
        for cp in copies:
            cp.wait()

        def grp_step(g, carry):
            off = g * GRP
            su_vec = idx_u[pl.ds(hoff + off, GRP)] & 7
            sv_vec = idx_v[pl.ds(hoff + off, GRP)] & 7
            r = jnp.zeros((GRP,), jnp.float32)
            for j in range(GRP):
                su = su_vec[j]
                sv = sv_vec[j]
                ur = slabs_u[off + j, pl.ds(su * DIM, DIM)]
                vr = slabs_v[off + j, pl.ds(sv * DIM, DIM)]
                x = ur * vr
                for sh in (8, 4, 2, 1):
                    x = x + _lane_perm(x, lanes ^ sh)
                r = jnp.where(lanes == j, x, r)
            out_buf[pl.ds(hoff + off, GRP)] = 1.0 / (1.0 + jnp.exp(-r))
            return carry

        lax.fori_loop(0, N_GRP, grp_step, 0)

    pltpu.sync_copy(out_buf, out_hbm.at[pl.ds(base, B_PER_W)])


def _gather_sc(u, v, tab8):
    mesh = plsc.VectorSubcoreMesh(core_axis_name="c", subcore_axis_name="s")
    kfn = pl.kernel(
        _body,
        out_type=jax.ShapeDtypeStruct((BATCH,), jnp.float32),
        mesh=mesh,
        scratch_types=[
            pltpu.VMEM((B_PER_W,), jnp.int32),
            pltpu.VMEM((B_PER_W,), jnp.int32),
            pltpu.VMEM((B_PER_W,), jnp.int32),
            pltpu.VMEM((B_PER_W,), jnp.int32),
            pltpu.VMEM((HALF, SLAB), jnp.float32),
            pltpu.VMEM((HALF, SLAB), jnp.float32),
            pltpu.VMEM((B_PER_W,), jnp.float32),
            pltpu.SemaphoreType.DMA,
        ],
    )
    return kfn(u, v, tab8)


@jax.jit
def _run_full(u, v, tab_t):
    return _gather_sc(u, v, _transpose_tc(tab_t))


def kernel(u, v, embed_weight):
    return _run_full(u.astype(jnp.int32), v.astype(jnp.int32),
                     embed_weight.T)

# --- scband reference (transcript-rebuilt; emitter-appended) ---
"""Pipeline reference for scband-baseline-dot-product-model-9921374454411 (READ-ONLY COPY).

The authoritative reference and input builder live on the scoring server;
editing this copy changes nothing except your own understanding.
"""

import jax, jax.numpy as jnp
import numpy as np

VOCAB = 1000000
DIM = 16
BATCH = 16384

def setup_inputs(seed: int = 0) -> dict:
    key = jax.random.key(seed)
    k1, k2, k3 = jax.random.split(key, 3)
    u = jax.random.randint(k1, (BATCH,), 0, VOCAB, dtype=jnp.int64 if jax.config.jax_enable_x64 else jnp.int32)
    v = jax.random.randint(k2, (BATCH,), 0, VOCAB, dtype=jnp.int64 if jax.config.jax_enable_x64 else jnp.int32)
    # nn.Embedding default init: N(0, 1)
    embed_weight = jax.random.normal(k3, (VOCAB, DIM), dtype=jnp.float32)
    return {"u": u, "v": v, "embed_weight": embed_weight}

def reference(u, v, embed_weight):
    u_emb = jnp.take(embed_weight, u, axis=0)
    v_emb = jnp.take(embed_weight, v, axis=0)
    return jax.nn.sigmoid(jnp.sum(u_emb * v_emb, axis=-1))

if __name__ == "__main__":
    import jax
    _d = setup_inputs()
    print(jax.jit(kernel)(*tuple(_d.values())))

</pallas_src>

<mosaic_0001>
#map = affine_map<(d0, d1) -> (0)>
#map1 = affine_map<(d0, d1) -> (0, 0)>
module attributes {stable_mosaic.version = 14 : i64} {
  func.func @_body(%arg0: i32, %arg1: i32, %arg2: memref<16384xi32, #tpu.memory_space<hbm>>, %arg3: memref<16384xi32, #tpu.memory_space<hbm>>, %arg4: memref<125000x128xf32, #tpu.memory_space<hbm>>, %arg5: memref<16384xf32, #tpu.memory_space<hbm>>, %arg6: memref<512xi32, #tpu.memory_space<vmem>>, %arg7: memref<512xi32, #tpu.memory_space<vmem>>, %arg8: memref<512xi32, #tpu.memory_space<vmem>>, %arg9: memref<512xi32, #tpu.memory_space<vmem>>, %arg10: memref<256x128xf32, #tpu.memory_space<vmem>>, %arg11: memref<256x128xf32, #tpu.memory_space<vmem>>, %arg12: memref<512xf32, #tpu.memory_space<vmem>>, %arg13: memref<!tpu.dma_semaphore, #tpu.memory_space<semaphore_mem>>) attributes {dimension_semantics = [#tpu.dimension_semantics<core_parallel>, #tpu.dimension_semantics<subcore_parallel>], iteration_bounds = array<i64: 2, 16>, scalar_prefetch = 0 : i64, scratch_operands = 8 : i64, tpu.core_type = #tpu.core_type<sc_vector_subcore>, window_params = [{transform_indices = #map}, {transform_indices = #map}, {transform_indices = #map1}, {transform_indices = #map}]} {
    %mul3A = arith.constant 2 : i32
    %mul3A_0 = arith.muli %arg1, %mul3A : i32
    %add3A = arith.addi %mul3A_0, %arg0 : i32
    %mul3A_1 = arith.constant 512 : i32
    %mul3A_2 = arith.muli %add3A, %mul3A_1 : i32
    "tpu.region"() ({
      %run_scoped3A = tpu.sem_alloc : memref<!tpu.dma_semaphore, #tpu.memory_space<semaphore_mem>>
      %dma_start3A_146 = tpu.memref_slice %arg2[%mul3A_2] : memref<16384xi32, #tpu.memory_space<hbm>> -> memref<512xi32, #tpu.memory_space<hbm>>
      %dma_start3A_147 = tpu.memref_slice %arg2[%mul3A_2] : memref<16384xi32, #tpu.memory_space<hbm>> -> memref<512xi32, #tpu.memory_space<hbm>>
      tpu.enqueue_dma source(%dma_start3A_147 : memref<512xi32, #tpu.memory_space<hbm>>) target(%arg6 : memref<512xi32, #tpu.memory_space<vmem>>) target_semaphore(%run_scoped3A : memref<!tpu.dma_semaphore, #tpu.memory_space<semaphore_mem>>)
      %dma_wait3A_148 = tpu.memref_slice %arg2[%mul3A_2] : memref<16384xi32, #tpu.memory_space<hbm>> -> memref<512xi32, #tpu.memory_space<hbm>>
      %dma_wait3A_149 = tpu.memref_slice %arg2[%mul3A_2] : memref<16384xi32, #tpu.memory_space<hbm>> -> memref<512xi32, #tpu.memory_space<hbm>>
      tpu.wait_dma2 semaphore(%run_scoped3A : memref<!tpu.dma_semaphore, #tpu.memory_space<semaphore_mem>>) src(%dma_wait3A_149 : memref<512xi32, #tpu.memory_space<hbm>>) dst(%arg6 : memref<512xi32, #tpu.memory_space<vmem>>)
      tpu.yield
    }) : () -> ()
    "tpu.region"() ({
      %run_scoped3A = tpu.sem_alloc : memref<!tpu.dma_semaphore, #tpu.memory_space<semaphore_mem>>
      %dma_start3A_146 = tpu.memref_slice %arg3[%mul3A_2] : memref<16384xi32, #tpu.memory_space<hbm>> -> memref<512xi32, #tpu.memory_space<hbm>>
      %dma_start3A_147 = tpu.memref_slice %arg3[%mul3A_2] : memref<16384xi32, #tpu.memory_space<hbm>> -> memref<512xi32, #tpu.memory_space<hbm>>
      tpu.enqueue_dma source(%dma_start3A_147 : memref<512xi32, #tpu.memory_space<hbm>>) target(%arg7 : memref<512xi32, #tpu.memory_space<vmem>>) target_semaphore(%run_scoped3A : memref<!tpu.dma_semaphore, #tpu.memory_space<semaphore_mem>>)
      %dma_wait3A_148 = tpu.memref_slice %arg3[%mul3A_2] : memref<16384xi32, #tpu.memory_space<hbm>> -> memref<512xi32, #tpu.memory_space<hbm>>
      %dma_wait3A_149 = tpu.memref_slice %arg3[%mul3A_2] : memref<16384xi32, #tpu.memory_space<hbm>> -> memref<512xi32, #tpu.memory_space<hbm>>
      tpu.wait_dma2 semaphore(%run_scoped3A : memref<!tpu.dma_semaphore, #tpu.memory_space<semaphore_mem>>) src(%dma_wait3A_149 : memref<512xi32, #tpu.memory_space<hbm>>) dst(%arg7 : memref<512xi32, #tpu.memory_space<vmem>>)
      tpu.yield
    }) : () -> ()
    %scan3A = arith.constant 0 : i32
    %scan3A_3 = arith.constant 0 : i32
    %scan3A_4 = arith.constant 32 : i32
    %scan3A_5 = arith.addi %scan3A_3, %scan3A_4 : i32
    %scan3A_6 = arith.constant 1 : i32
    scf.for %scan3A_146 = %scan3A_3 to %scan3A_5 step %scan3A_6  : i32 {
      %mul3A_147 = arith.constant 16 : i32
      %mul3A_148 = arith.muli %scan3A_146, %mul3A_147 : i32
      %get3A = arith.index_cast %mul3A_148 : i32 to index
      %get3A_149 = tpu.vector_load %arg6[%get3A] {strides = array<i32>} : memref<512xi32, #tpu.memory_space<vmem>>, vector<16xi32>,
      %get3A_150 = vector.shape_cast %get3A_149 : vector<16xi32> to vector<16xi32>
      %shift_right_logical3A = arith.constant 3 : i32
      %shift_right_logical3A_151 = vector.broadcast %shift_right_logical3A : i32 to vector<16xi32>
      %shift_right_logical3A_152 = arith.shrui %get3A_150, %shift_right_logical3A_151 : vector<16xi32>
      %swap3A = arith.index_cast %mul3A_148 : i32 to index
      %swap3A_153 = tpu.vector_load %arg8[%swap3A] {strides = array<i32>} : memref<512xi32, #tpu.memory_space<vmem>>, vector<16xi32>,
      %swap3A_154 = vector.shape_cast %swap3A_153 : vector<16xi32> to vector<16xi32>
      %swap3A_155 = vector.shape_cast %shift_right_logical3A_152 : vector<16xi32> to vector<16xi32>
      tpu.vector_store %arg8[%swap3A], %swap3A_155 {strides = array<i32>} : memref<512xi32, #tpu.memory_space<vmem>>, vector<16xi32>,
      %get3A_156 = arith.index_cast %mul3A_148 : i32 to index
      %get3A_157 = tpu.vector_load %arg7[%get3A_156] {strides = array<i32>} : memref<512xi32, #tpu.memory_space<vmem>>, vector<16xi32>,
      %get3A_158 = vector.shape_cast %get3A_157 : vector<16xi32> to vector<16xi32>
      %shift_right_logical3A_159 = arith.constant 3 : i32
      %shift_right_logical3A_160 = vector.broadcast %shift_right_logical3A_159 : i32 to vector<16xi32>
      %shift_right_logical3A_161 = arith.shrui %get3A_158, %shift_right_logical3A_160 : vector<16xi32>
      %swap3A_162 = arith.index_cast %mul3A_148 : i32 to index
      %swap3A_163 = tpu.vector_load %arg9[%swap3A_162] {strides = array<i32>} : memref<512xi32, #tpu.memory_space<vmem>>, vector<16xi32>,
      %swap3A_164 = vector.shape_cast %swap3A_163 : vector<16xi32> to vector<16xi32>
      %swap3A_165 = vector.shape_cast %shift_right_logical3A_161 : vector<16xi32> to vector<16xi32>
      tpu.vector_store %arg9[%swap3A_162], %swap3A_165 {strides = array<i32>} : memref<512xi32, #tpu.memory_space<vmem>>, vector<16xi32>,
    }
    %scan3A_7 = arith.constant 32 : i32
    %iota3A = tpu.iota {dimensions = array<i32: 0>} : vector<16xi32>
    %dma_start3A = arith.constant 0 : i32
    %dma_start3A_8 = arith.constant 0 : i32
    %dma_start3A_9 = tpu.memref_slice %arg10[%dma_start3A, %dma_start3A_8] : memref<256x128xf32, #tpu.memory_space<vmem>> -> memref<128x128xf32, #tpu.memory_space<vmem>>
    %dma_start3A_10 = arith.constant 0 : i32
    %dma_start3A_11 = tpu.memref_slice %arg8[%dma_start3A_10] : memref<512xi32, #tpu.memory_space<vmem>> -> memref<128xi32, #tpu.memory_space<vmem>>
    %dma_start3A_12 = arith.constant 0 : i32
    %dma_start3A_13 = arith.constant 0 : i32
    %dma_start3A_14 = tpu.memref_slice %arg4[%dma_start3A_12, %dma_start3A_13] : memref<125000x128xf32, #tpu.memory_space<hbm>> -> memref<125000x128xf32, #tpu.memory_space<hbm>>
    tpu.enqueue_indirect_dma source(%dma_start3A_14 : memref<125000x128xf32, #tpu.memory_space<hbm>>) target(%dma_start3A_9 : memref<128x128xf32, #tpu.memory_space<vmem>>) offsets(%dma_start3A_11 : memref<128xi32, #tpu.memory_space<vmem>>) semaphore(%arg13 : memref<!tpu.dma_semaphore, #tpu.memory_space<semaphore_mem>>)
    %dma_start3A_15 = arith.constant 0 : i32
    %dma_start3A_16 = arith.constant 0 : i32
    %dma_start3A_17 = tpu.memref_slice %arg11[%dma_start3A_15, %dma_start3A_16] : memref<256x128xf32, #tpu.memory_space<vmem>> -> memref<128x128xf32, #tpu.memory_space<vmem>>
    %dma_start3A_18 = arith.constant 0 : i32
    %dma_start3A_19 = tpu.memref_slice %arg9[%dma_start3A_18] : memref<512xi32, #tpu.memory_space<vmem>> -> memref<128xi32, #tpu.memory_space<vmem>>
    %dma_start3A_20 = arith.constant 0 : i32
    %dma_start3A_21 = arith.constant 0 : i32
    %dma_start3A_22 = tpu.memref_slice %arg4[%dma_start3A_20, %dma_start3A_21] : memref<125000x128xf32, #tpu.memory_space<hbm>> -> memref<125000x128xf32, #tpu.memory_space<hbm>>
    tpu.enqueue_indirect_dma source(%dma_start3A_22 : memref<125000x128xf32, #tpu.memory_space<hbm>>) target(%dma_start3A_17 : memref<128x128xf32, #tpu.memory_space<vmem>>) offsets(%dma_start3A_19 : memref<128xi32, #tpu.memory_space<vmem>>) semaphore(%arg13 : memref<!tpu.dma_semaphore, #tpu.memory_space<semaphore_mem>>)
    %dma_start3A_23 = arith.constant 128 : i32
    %dma_start3A_24 = arith.constant 0 : i32
    %dma_start3A_25 = tpu.memref_slice %arg10[%dma_start3A_23, %dma_start3A_24] : memref<256x128xf32, #tpu.memory_space<vmem>> -> memref<128x128xf32, #tpu.memory_space<vmem>>
    %dma_start3A_26 = arith.constant 128 : i32
    %dma_start3A_27 = tpu.memref_slice %arg8[%dma_start3A_26] : memref<512xi32, #tpu.memory_space<vmem>> -> memref<128xi32, #tpu.memory_space<vmem>>
    %dma_start3A_28 = arith.constant 0 : i32
    %dma_start3A_29 = arith.constant 0 : i32
    %dma_start3A_30 = tpu.memref_slice %arg4[%dma_start3A_28, %dma_start3A_29] : memref<125000x128xf32, #tpu.memory_space<hbm>> -> memref<125000x128xf32, #tpu.memory_space<hbm>>
    tpu.enqueue_indirect_dma source(%dma_start3A_30 : memref<125000x128xf32, #tpu.memory_space<hbm>>) target(%dma_start3A_25 : memref<128x128xf32, #tpu.memory_space<vmem>>) offsets(%dma_start3A_27 : memref<128xi32, #tpu.memory_space<vmem>>) semaphore(%arg13 : memref<!tpu.dma_semaphore, #tpu.memory_space<semaphore_mem>>)
    %dma_start3A_31 = arith.constant 128 : i32
    %dma_start3A_32 = arith.constant 0 : i32
    %dma_start3A_33 = tpu.memref_slice %arg11[%dma_start3A_31, %dma_start3A_32] : memref<256x128xf32, #tpu.memory_space<vmem>> -> memref<128x128xf32, #tpu.memory_space<vmem>>
    %dma_start3A_34 = arith.constant 128 : i32
    %dma_start3A_35 = tpu.memref_slice %arg9[%dma_start3A_34] : memref<512xi32, #tpu.memory_space<vmem>> -> memref<128xi32, #tpu.memory_space<vmem>>
    %dma_start3A_36 = arith.constant 0 : i32
    %dma_start3A_37 = arith.constant 0 : i32
    %dma_start3A_38 = tpu.memref_slice %arg4[%dma_start3A_36, %dma_start3A_37] : memref<125000x128xf32, #tpu.memory_space<hbm>> -> memref<125000x128xf32, #tpu.memory_space<hbm>>
    tpu.enqueue_indirect_dma source(%dma_start3A_38 : memref<125000x128xf32, #tpu.memory_space<hbm>>) target(%dma_start3A_33 : memref<128x128xf32, #tpu.memory_space<vmem>>) offsets(%dma_start3A_35 : memref<128xi32, #tpu.memory_space<vmem>>) semaphore(%arg13 : memref<!tpu.dma_semaphore, #tpu.memory_space<semaphore_mem>>)
    %dma_wait3A = arith.constant 0 : i32
    %dma_wait3A_39 = arith.constant 0 : i32
    %dma_wait3A_40 = tpu.memref_slice %arg10[%dma_wait3A, %dma_wait3A_39] : memref<256x128xf32, #tpu.memory_space<vmem>> -> memref<128x128xf32, #tpu.memory_space<vmem>>
    %dma_wait3A_41 = arith.constant 0 : i32
    %dma_wait3A_42 = tpu.memref_slice %arg8[%dma_wait3A_41] : memref<512xi32, #tpu.memory_space<vmem>> -> memref<128xi32, #tpu.memory_space<vmem>>
    %dma_wait3A_43 = arith.constant 0 : i32
    %dma_wait3A_44 = arith.constant 0 : i32
    %dma_wait3A_45 = tpu.memref_slice %arg4[%dma_wait3A_43, %dma_wait3A_44] : memref<125000x128xf32, #tpu.memory_space<hbm>> -> memref<125000x128xf32, #tpu.memory_space<hbm>>
    tpu.wait_indirect_dma semaphore(%arg13 : memref<!tpu.dma_semaphore, #tpu.memory_space<semaphore_mem>>) src(%dma_wait3A_45 : memref<125000x128xf32, #tpu.memory_space<hbm>>) dst(%dma_wait3A_40 : memref<128x128xf32, #tpu.memory_space<vmem>>)
    %dma_wait3A_46 = arith.constant 0 : i32
    %dma_wait3A_47 = arith.constant 0 : i32
    %dma_wait3A_48 = tpu.memref_slice %arg11[%dma_wait3A_46, %dma_wait3A_47] : memref<256x128xf32, #tpu.memory_space<vmem>> -> memref<128x128xf32, #tpu.memory_space<vmem>>
    %dma_wait3A_49 = arith.constant 0 : i32
    %dma_wait3A_50 = tpu.memref_slice %arg9[%dma_wait3A_49] : memref<512xi32, #tpu.memory_space<vmem>> -> memref<128xi32, #tpu.memory_space<vmem>>
    %dma_wait3A_51 = arith.constant 0 : i32
    %dma_wait3A_52 = arith.constant 0 : i32
    %dma_wait3A_53 = tpu.memref_slice %arg4[%dma_wait3A_51, %dma_wait3A_52] : memref<125000x128xf32, #tpu.memory_space<hbm>> -> memref<125000x128xf32, #tpu.memory_space<hbm>>
    tpu.wait_indirect_dma semaphore(%arg13 : memref<!tpu.dma_semaphore, #tpu.memory_space<semaphore_mem>>) src(%dma_wait3A_53 : memref<125000x128xf32, #tpu.memory_space<hbm>>) dst(%dma_wait3A_48 : memref<128x128xf32, #tpu.memory_space<vmem>>)
    %dma_wait3A_54 = arith.constant 128 : i32
    %dma_wait3A_55 = arith.constant 0 : i32
    %dma_wait3A_56 = tpu.memref_slice %arg10[%dma_wait3A_54, %dma_wait3A_55] : memref<256x128xf32, #tpu.memory_space<vmem>> -> memref<128x128xf32, #tpu.memory_space<vmem>>
    %dma_wait3A_57 = arith.constant 128 : i32
    %dma_wait3A_58 = tpu.memref_slice %arg8[%dma_wait3A_57] : memref<512xi32, #tpu.memory_space<vmem>> -> memref<128xi32, #tpu.memory_space<vmem>>
    %dma_wait3A_59 = arith.constant 0 : i32
    %dma_wait3A_60 = arith.constant 0 : i32
    %dma_wait3A_61 = tpu.memref_slice %arg4[%dma_wait3A_59, %dma_wait3A_60] : memref<125000x128xf32, #tpu.memory_space<hbm>> -> memref<125000x128xf32, #tpu.memory_space<hbm>>
    tpu.wait_indirect_dma semaphore(%arg13 : memref<!tpu.dma_semaphore, #tpu.memory_space<semaphore_mem>>) src(%dma_wait3A_61 : memref<125000x128xf32, #tpu.memory_space<hbm>>) dst(%dma_wait3A_56 : memref<128x128xf32, #tpu.memory_space<vmem>>)
    %dma_wait3A_62 = arith.constant 128 : i32
    %dma_wait3A_63 = arith.constant 0 : i32
    %dma_wait3A_64 = tpu.memref_slice %arg11[%dma_wait3A_62, %dma_wait3A_63] : memref<256x128xf32, #tpu.memory_space<vmem>> -> memref<128x128xf32, #tpu.memory_space<vmem>>
    %dma_wait3A_65 = arith.constant 128 : i32
    %dma_wait3A_66 = tpu.memref_slice %arg9[%dma_wait3A_65] : memref<512xi32, #tpu.memory_space<vmem>> -> memref<128xi32, #tpu.memory_space<vmem>>
    %dma_wait3A_67 = arith.constant 0 : i32
    %dma_wait3A_68 = arith.constant 0 : i32
    %dma_wait3A_69 = tpu.memref_slice %arg4[%dma_wait3A_67, %dma_wait3A_68] : memref<125000x128xf32, #tpu.memory_space<hbm>> -> memref<125000x128xf32, #tpu.memory_space<hbm>>
    tpu.wait_indirect_dma semaphore(%arg13 : memref<!tpu.dma_semaphore, #tpu.memory_space<semaphore_mem>>) src(%dma_wait3A_69 : memref<125000x128xf32, #tpu.memory_space<hbm>>) dst(%dma_wait3A_64 : memref<128x128xf32, #tpu.memory_space<vmem>>)
    %scan3A_70 = arith.constant 0 : i32
    %scan3A_71 = arith.constant 0 : i32
    %scan3A_72 = arith.constant 16 : i32
    %scan3A_73 = arith.addi %scan3A_71, %scan3A_72 : i32
    %scan3A_74 = arith.constant 1 : i32
    scf.for %scan3A_146 = %scan3A_71 to %scan3A_73 step %scan3A_74  : i32 {
      %mul3A_147 = arith.constant 16 : i32
      %mul3A_148 = arith.muli %scan3A_146, %mul3A_147 : i32
      %add3A_149 = arith.constant 0 : i32
      %add3A_150 = arith.addi %add3A_149, %mul3A_148 : i32
      %get3A = arith.index_cast %add3A_150 : i32 to index
      %get3A_151 = tpu.vector_load %arg6[%get3A] {strides = array<i32>} : memref<512xi32, #tpu.memory_space<vmem>>, vector<16xi32>,
      %get3A_152 = vector.shape_cast %get3A_151 : vector<16xi32> to vector<16xi32>
      %and3A = arith.constant 7 : i32
      %and3A_153 = vector.broadcast %and3A : i32 to vector<16xi32>
      %and3A_154 = arith.andi %get3A_152, %and3A_153 : vector<16xi32>
      %add3A_155 = arith.constant 0 : i32
      %add3A_156 = arith.addi %add3A_155, %mul3A_148 : i32
      %get3A_157 = arith.index_cast %add3A_156 : i32 to index
      %get3A_158 = tpu.vector_load %arg7[%get3A_157] {strides = array<i32>} : memref<512xi32, #tpu.memory_space<vmem>>, vector<16xi32>,
      %get3A_159 = vector.shape_cast %get3A_158 : vector<16xi32> to vector<16xi32>
      %and3A_160 = arith.constant 7 : i32
      %and3A_161 = vector.broadcast %and3A_160 : i32 to vector<16xi32>
      %and3A_162 = arith.andi %get3A_159, %and3A_161 : vector<16xi32>
      %broadcast_in_dim3A = arith.constant 0.000000e+00 : f32
      %broadcast_in_dim3A_163 = vector.broadcast %broadcast_in_dim3A : f32 to vector<16xf32>
      %slice3A = vector.extract_strided_slice %and3A_154 {offsets = [0], sizes = [1], strides = [1]} : vector<16xi32> to vector<1xi32>
      %squeeze3A = vector.extract %slice3A[0] : i32 from vector<1xi32>
      %slice3A_164 = vector.extract_strided_slice %and3A_162 {offsets = [0], sizes = [1], strides = [1]} : vector<16xi32> to vector<1xi32>
      %squeeze3A_165 = vector.extract %slice3A_164[0] : i32 from vector<1xi32>
      %add3A_166 = arith.constant 0 : i32
      %add3A_167 = arith.addi %mul3A_148, %add3A_166 : i32
      %mul3A_168 = arith.constant 16 : i32
      %mul3A_169 = arith.muli %squeeze3A, %mul3A_168 : i32
      %get3A_170 = arith.index_cast %add3A_167 : i32 to index
      %get3A_171 = arith.index_cast %mul3A_169 : i32 to index
      %get3A_172 = tpu.vector_load %arg10[%get3A_170, %get3A_171] {strides = array<i32>} : memref<256x128xf32, #tpu.memory_space<vmem>>, vector<1x16xf32>,
      %get3A_173 = vector.shape_cast %get3A_172 : vector<1x16xf32> to vector<16xf32>
      %add3A_174 = arith.constant 0 : i32
      %add3A_175 = arith.addi %mul3A_148, %add3A_174 : i32
      %mul3A_176 = arith.constant 16 : i32
      %mul3A_177 = arith.muli %squeeze3A_165, %mul3A_176 : i32
      %get3A_178 = arith.index_cast %add3A_175 : i32 to index
      %get3A_179 = arith.index_cast %mul3A_177 : i32 to index
      %get3A_180 = tpu.vector_load %arg11[%get3A_178, %get3A_179] {strides = array<i32>} : memref<256x128xf32, #tpu.memory_space<vmem>>, vector<1x16xf32>,
      %get3A_181 = vector.shape_cast %get3A_180 : vector<1x16xf32> to vector<16xf32>
      %mul3A_182 = arith.mulf %get3A_173, %get3A_181 : vector<16xf32>
      %xor3A = arith.constant 8 : i32
      %xor3A_183 = vector.broadcast %xor3A : i32 to vector<16xi32>
      %xor3A_184 = arith.xori %iota3A, %xor3A_183 : vector<16xi32>
      %broadcast_in_dim3A_185 = vector.shape_cast %xor3A_184 : vector<16xi32> to vector<16x1xi32>
      %gather3A = vector.shape_cast %broadcast_in_dim3A_185 : vector<16x1xi32> to vector<16xi32>
      %gather3A_186 = tpu.dynamic_gather %mul3A_182[%gather3A] in [0] : vector<16xf32>, vector<16xi32> -> vector<16xf32>
      %add3A_187 = arith.addf %mul3A_182, %gather3A_186 : vector<16xf32>
      %xor3A_188 = arith.constant 4 : i32
      %xor3A_189 = vector.broadcast %xor3A_188 : i32 to vector<16xi32>
      %xor3A_190 = arith.xori %iota3A, %xor3A_189 : vector<16xi32>
      %broadcast_in_dim3A_191 = vector.shape_cast %xor3A_190 : vector<16xi32> to vector<16x1xi32>
      %gather3A_192 = vector.shape_cast %broadcast_in_dim3A_191 : vector<16x1xi32> to vector<16xi32>
      %gather3A_193 = tpu.dynamic_gather %add3A_187[%gather3A_192] in [0] : vector<16xf32>, vector<16xi32> -> vector<16xf32>
      %add3A_194 = arith.addf %add3A_187, %gather3A_193 : vector<16xf32>
      %xor3A_195 = arith.constant 2 : i32
      %xor3A_196 = vector.broadcast %xor3A_195 : i32 to vector<16xi32>
      %xor3A_197 = arith.xori %iota3A, %xor3A_196 : vector<16xi32>
      %broadcast_in_dim3A_198 = vector.shape_cast %xor3A_197 : vector<16xi32> to vector<16x1xi32>
      %gather3A_199 = vector.shape_cast %broadcast_in_dim3A_198 : vector<16x1xi32> to vector<16xi32>
      %gather3A_200 = tpu.dynamic_gather %add3A_194[%gather3A_199] in [0] : vector<16xf32>, vector<16xi32> -> vector<16xf32>
      %add3A_201 = arith.addf %add3A_194, %gather3A_200 : vector<16xf32>
      %xor3A_202 = arith.constant 1 : i32
      %xor3A_203 = vector.broadcast %xor3A_202 : i32 to vector<16xi32>
      %xor3A_204 = arith.xori %iota3A, %xor3A_203 : vector<16xi32>
      %broadcast_in_dim3A_205 = vector.shape_cast %xor3A_204 : vector<16xi32> to vector<16x1xi32>
      %gather3A_206 = vector.shape_cast %broadcast_in_dim3A_205 : vector<16x1xi32> to vector<16xi32>
      %gather3A_207 = tpu.dynamic_gather %add3A_201[%gather3A_206] in [0] : vector<16xf32>, vector<16xi32> -> vector<16xf32>
      %add3A_208 = arith.addf %add3A_201, %gather3A_207 : vector<16xf32>
      %eq3A = arith.constant 0 : i32
      %eq3A_209 = vector.broadcast %eq3A : i32 to vector<16xi32>
      %eq3A_210 = arith.cmpi eq, %iota3A, %eq3A_209 : vector<16xi32>
      %select_n3A = arith.select %eq3A_210, %add3A_208, %broadcast_in_dim3A_163 : vector<16xi1>, vector<16xf32>
      %slice3A_211 = vector.extract_strided_slice %and3A_154 {offsets = [1], sizes = [1], strides = [1]} : vector<16xi32> to vector<1xi32>
      %squeeze3A_212 = vector.extract %slice3A_211[0] : i32 from vector<1xi32>
      %slice3A_213 = vector.extract_strided_slice %and3A_162 {offsets = [1], sizes = [1], strides = [1]} : vector<16xi32> to vector<1xi32>
      %squeeze3A_214 = vector.extract %slice3A_213[0] : i32 from vector<1xi32>
      %add3A_215 = arith.constant 1 : i32
      %add3A_216 = arith.addi %mul3A_148, %add3A_215 : i32
      %mul3A_217 = arith.constant 16 : i32
      %mul3A_218 = arith.muli %squeeze3A_212, %mul3A_217 : i32
      %get3A_219 = arith.index_cast %add3A_216 : i32 to index
      %get3A_220 = arith.index_cast %mul3A_218 : i32 to index
      %get3A_221 = tpu.vector_load %arg10[%get3A_219, %get3A_220] {strides = array<i32>} : memref<256x128xf32, #tpu.memory_space<vmem>>, vector<1x16xf32>,
      %get3A_222 = vector.shape_cast %get3A_221 : vector<1x16xf32> to vector<16xf32>
      %add3A_223 = arith.constant 1 : i32
      %add3A_224 = arith.addi %mul3A_148, %add3A_223 : i32
      %mul3A_225 = arith.constant 16 : i32
      %mul3A_226 = arith.muli %squeeze3A_214, %mul3A_225 : i32
      %get3A_227 = arith.index_cast %add3A_224 : i32 to index
      %get3A_228 = arith.index_cast %mul3A_226 : i32 to index
      %get3A_229 = tpu.vector_load %arg11[%get3A_227, %get3A_228] {strides = array<i32>} : memref<256x128xf32, #tpu.memory_space<vmem>>, vector<1x16xf32>,
      %get3A_230 = vector.shape_cast %get3A_229 : vector<1x16xf32> to vector<16xf32>
      %mul3A_231 = arith.mulf %get3A_222, %get3A_230 : vector<16xf32>
      %xor3A_232 = arith.constant 8 : i32
      %xor3A_233 = vector.broadcast %xor3A_232 : i32 to vector<16xi32>
      %xor3A_234 = arith.xori %iota3A, %xor3A_233 : vector<16xi32>
      %broadcast_in_dim3A_235 = vector.shape_cast %xor3A_234 : vector<16xi32> to vector<16x1xi32>
      %gather3A_236 = vector.shape_cast %broadcast_in_dim3A_235 : vector<16x1xi32> to vector<16xi32>
      %gather3A_237 = tpu.dynamic_gather %mul3A_231[%gather3A_236] in [0] : vector<16xf32>, vector<16xi32> -> vector<16xf32>
      %add3A_238 = arith.addf %mul3A_231, %gather3A_237 : vector<16xf32>
      %xor3A_239 = arith.constant 4 : i32
      %xor3A_240 = vector.broadcast %xor3A_239 : i32 to vector<16xi32>
      %xor3A_241 = arith.xori %iota3A, %xor3A_240 : vector<16xi32>
      %broadcast_in_dim3A_242 = vector.shape_cast %xor3A_241 : vector<16xi32> to vector<16x1xi32>
      %gather3A_243 = vector.shape_cast %broadcast_in_dim3A_242 : vector<16x1xi32> to vector<16xi32>
      %gather3A_244 = tpu.dynamic_gather %add3A_238[%gather3A_243] in [0] : vector<16xf32>, vector<16xi32> -> vector<16xf32>
      %add3A_245 = arith.addf %add3A_238, %gather3A_244 : vector<16xf32>
      %xor3A_246 = arith.constant 2 : i32
      %xor3A_247 = vector.broadcast %xor3A_246 : i32 to vector<16xi32>
      %xor3A_248 = arith.xori %iota3A, %xor3A_247 : vector<16xi32>
      %broadcast_in_dim3A_249 = vector.shape_cast %xor3A_248 : vector<16xi32> to vector<16x1xi32>
      %gather3A_250 = vector.shape_cast %broadcast_in_dim3A_249 : vector<16x1xi32> to vector<16xi32>
      %gather3A_251 = tpu.dynamic_gather %add3A_245[%gather3A_250] in [0] : vector<16xf32>, vector<16xi32> -> vector<16xf32>
      %add3A_252 = arith.addf %add3A_245, %gather3A_251 : vector<16xf32>
      %xor3A_253 = arith.constant 1 : i32
      %xor3A_254 = vector.broadcast %xor3A_253 : i32 to vector<16xi32>
      %xor3A_255 = arith.xori %iota3A, %xor3A_254 : vector<16xi32>
      %broadcast_in_dim3A_256 = vector.shape_cast %xor3A_255 : vector<16xi32> to vector<16x1xi32>
      %gather3A_257 = vector.shape_cast %broadcast_in_dim3A_256 : vector<16x1xi32> to vector<16xi32>
      %gather3A_258 = tpu.dynamic_gather %add3A_252[%gather3A_257] in [0] : vector<16xf32>, vector<16xi32> -> vector<16xf32>
      %add3A_259 = arith.addf %add3A_252, %gather3A_258 : vector<16xf32>
      %eq3A_260 = arith.constant 1 : i32
      %eq3A_261 = vector.broadcast %eq3A_260 : i32 to vector<16xi32>
      %eq3A_262 = arith.cmpi eq, %iota3A, %eq3A_261 : vector<16xi32>
      %select_n3A_263 = arith.select %eq3A_262, %add3A_259, %select_n3A : vector<16xi1>, vector<16xf32>
      %slice3A_264 = vector.extract_strided_slice %and3A_154 {offsets = [2], sizes = [1], strides = [1]} : vector<16xi32> to vector<1xi32>
      %squeeze3A_265 = vector.extract %slice3A_264[0] : i32 from vector<1xi32>
      %slice3A_266 = vector.extract_strided_slice %and3A_162 {offsets = [2], sizes = [1], strides = [1]} : vector<16xi32> to vector<1xi32>
      %squeeze3A_267 = vector.extract %slice3A_266[0] : i32 from vector<1xi32>
      %add3A_268 = arith.constant 2 : i32
      %add3A_269 = arith.addi %mul3A_148, %add3A_268 : i32
      %mul3A_270 = arith.constant 16 : i32
      %mul3A_271 = arith.muli %squeeze3A_265, %mul3A_270 : i32
      %get3A_272 = arith.index_cast %add3A_269 : i32 to index
      %get3A_273 = arith.index_cast %mul3A_271 : i32 to index
      %get3A_274 = tpu.vector_load %arg10[%get3A_272, %get3A_273] {strides = array<i32>} : memref<256x128xf32, #tpu.memory_space<vmem>>, vector<1x16xf32>,
      %get3A_275 = vector.shape_cast %get3A_274 : vector<1x16xf32> to vector<16xf32>
      %add3A_276 = arith.constant 2 : i32
      %add3A_277 = arith.addi %mul3A_148, %add3A_276 : i32
      %mul3A_278 = arith.constant 16 : i32
      %mul3A_279 = arith.muli %squeeze3A_267, %mul3A_278 : i32
      %get3A_280 = arith.index_cast %add3A_277 : i32 to index
      %get3A_281 = arith.index_cast %mul3A_279 : i32 to index
      %get3A_282 = tpu.vector_load %arg11[%get3A_280, %get3A_281] {strides = array<i32>} : memref<256x128xf32, #tpu.memory_space<vmem>>, vector<1x16xf32>,
      %get3A_283 = vector.shape_cast %get3A_282 : vector<1x16xf32> to vector<16xf32>
      %mul3A_284 = arith.mulf %get3A_275, %get3A_283 : vector<16xf32>
      %xor3A_285 = arith.constant 8 : i32
      %xor3A_286 = vector.broadcast %xor3A_285 : i32 to vector<16xi32>
      %xor3A_287 = arith.xori %iota3A, %xor3A_286 : vector<16xi32>
      %broadcast_in_dim3A_288 = vector.shape_cast %xor3A_287 : vector<16xi32> to vector<16x1xi32>
      %gather3A_289 = vector.shape_cast %broadcast_in_dim3A_288 : vector<16x1xi32> to vector<16xi32>
      %gather3A_290 = tpu.dynamic_gather %mul3A_284[%gather3A_289] in [0] : vector<16xf32>, vector<16xi32> -> vector<16xf32>
      %add3A_291 = arith.addf %mul3A_284, %gather3A_290 : vector<16xf32>
      %xor3A_292 = arith.constant 4 : i32
      %xor3A_293 = vector.broadcast %xor3A_292 : i32 to vector<16xi32>
      %xor3A_294 = arith.xori %iota3A, %xor3A_293 : vector<16xi32>
      %broadcast_in_dim3A_295 = vector.shape_cast %xor3A_294 : vector<16xi32> to vector<16x1xi32>
      %gather3A_296 = vector.shape_cast %broadcast_in_dim3A_295 : vector<16x1xi32> to vector<16xi32>
      %gather3A_297 = tpu.dynamic_gather %add3A_291[%gather3A_296] in [0] : vector<16xf32>, vector<16xi32> -> vector<16xf32>
      %add3A_298 = arith.addf %add3A_291, %gather3A_297 : vector<16xf32>
      %xor3A_299 = arith.constant 2 : i32
      %xor3A_300 = vector.broadcast %xor3A_299 : i32 to vector<16xi32>
      %xor3A_301 = arith.xori %iota3A, %xor3A_300 : vector<16xi32>
      %broadcast_in_dim3A_302 = vector.shape_cast %xor3A_301 : vector<16xi32> to vector<16x1xi32>
      %gather3A_303 = vector.shape_cast %broadcast_in_dim3A_302 : vector<16x1xi32> to vector<16xi32>
      %gather3A_304 = tpu.dynamic_gather %add3A_298[%gather3A_303] in [0] : vector<16xf32>, vector<16xi32> -> vector<16xf32>
      %add3A_305 = arith.addf %add3A_298, %gather3A_304 : vector<16xf32>
      %xor3A_306 = arith.constant 1 : i32
      %xor3A_307 = vector.broadcast %xor3A_306 : i32 to vector<16xi32>
      %xor3A_308 = arith.xori %iota3A, %xor3A_307 : vector<16xi32>
      %broadcast_in_dim3A_309 = vector.shape_cast %xor3A_308 : vector<16xi32> to vector<16x1xi32>
      %gather3A_310 = vector.shape_cast %broadcast_in_dim3A_309 : vector<16x1xi32> to vector<16xi32>
      %gather3A_311 = tpu.dynamic_gather %add3A_305[%gather3A_310] in [0] : vector<16xf32>, vector<16xi32> -> vector<16xf32>
      %add3A_312 = arith.addf %add3A_305, %gather3A_311 : vector<16xf32>
      %eq3A_313 = arith.constant 2 : i32
      %eq3A_314 = vector.broadcast %eq3A_313 : i32 to vector<16xi32>
      %eq3A_315 = arith.cmpi eq, %iota3A, %eq3A_314 : vector<16xi32>
      %select_n3A_316 = arith.select %eq3A_315, %add3A_312, %select_n3A_263 : vector<16xi1>, vector<16xf32>
      %slice3A_317 = vector.extract_strided_slice %and3A_154 {offsets = [3], sizes = [1], strides = [1]} : vector<16xi32> to vector<1xi32>
      %squeeze3A_318 = vector.extract %slice3A_317[0] : i32 from vector<1xi32>
      %slice3A_319 = vector.extract_strided_slice %and3A_162 {offsets = [3], sizes = [1], strides = [1]} : vector<16xi32> to vector<1xi32>
      %squeeze3A_320 = vector.extract %slice3A_319[0] : i32 from vector<1xi32>
      %add3A_321 = arith.constant 3 : i32
      %add3A_322 = arith.addi %mul3A_148, %add3A_321 : i32
      %mul3A_323 = arith.constant 16 : i32
      %mul3A_324 = arith.muli %squeeze3A_318, %mul3A_323 : i32
      %get3A_325 = arith.index_cast %add3A_322 : i32 to index
      %get3A_326 = arith.index_cast %mul3A_324 : i32 to index
      %get3A_327 = tpu.vector_load %arg10[%get3A_325, %get3A_326] {strides = array<i32>} : memref<256x128xf32, #tpu.memory_space<vmem>>, vector<1x16xf32>,
      %get3A_328 = vector.shape_cast %get3A_327 : vector<1x16xf32> to vector<16xf32>
      %add3A_329 = arith.constant 3 : i32
      %add3A_330 = arith.addi %mul3A_148, %add3A_329 : i32
      %mul3A_331 = arith.constant 16 : i32
      %mul3A_332 = arith.muli %squeeze3A_320, %mul3A_331 : i32
      %get3A_333 = arith.index_cast %add3A_330 : i32 to index
      %get3A_334 = arith.index_cast %mul3A_332 : i32 to index
      %get3A_335 = tpu.vector_load %arg11[%get3A_333, %get3A_334] {strides = array<i32>} : memref<256x128xf32, #tpu.memory_space<vmem>>, vector<1x16xf32>,
      %get3A_336 = vector.shape_cast %get3A_335 : vector<1x16xf32> to vector<16xf32>
      %mul3A_337 = arith.mulf %get3A_328, %get3A_336 : vector<16xf32>
      %xor3A_338 = arith.constant 8 : i32
      %xor3A_339 = vector.broadcast %xor3A_338 : i32 to vector<16xi32>
      %xor3A_340 = arith.xori %iota3A, %xor3A_339 : vector<16xi32>
      %broadcast_in_dim3A_341 = vector.shape_cast %xor3A_340 : vector<16xi32> to vector<16x1xi32>
      %gather3A_342 = vector.shape_cast %broadcast_in_dim3A_341 : vector<16x1xi32> to vector<16xi32>
      %gather3A_343 = tpu.dynamic_gather %mul3A_337[%gather3A_342] in [0] : vector<16xf32>, vector<16xi32> -> vector<16xf32>
      %add3A_344 = arith.addf %mul3A_337, %gather3A_343 : vector<16xf32>
      %xor3A_345 = arith.constant 4 : i32
      %xor3A_346 = vector.broadcast %xor3A_345 : i32 to vector<16xi32>
      %xor3A_347 = arith.xori %iota3A, %xor3A_346 : vector<16xi32>
      %broadcast_in_dim3A_348 = vector.shape_cast %xor3A_347 : vector<16xi32> to vector<16x1xi32>
      %gather3A_349 = vector.shape_cast %broadcast_in_dim3A_348 : vector<16x1xi32> to vector<16xi32>
      %gather3A_350 = tpu.dynamic_gather %add3A_344[%gather3A_349] in [0] : vector<16xf32>, vector<16xi32> -> vector<16xf32>
      %add3A_351 = arith.addf %add3A_344, %gather3A_350 : vector<16xf32>
      %xor3A_352 = arith.constant 2 : i32
      %xor3A_353 = vector.broadcast %xor3A_352 : i32 to vector<16xi32>
      %xor3A_354 = arith.xori %iota3A, %xor3A_353 : vector<16xi32>
      %broadcast_in_dim3A_355 = vector.shape_cast %xor3A_354 : vector<16xi32> to vector<16x1xi32>
      %gather3A_356 = vector.shape_cast %broadcast_in_dim3A_355 : vector<16x1xi32> to vector<16xi32>
      %gather3A_357 = tpu.dynamic_gather %add3A_351[%gather3A_356] in [0] : vector<16xf32>, vector<16xi32> -> vector<16xf32>
      %add3A_358 = arith.addf %add3A_351, %gather3A_357 : vector<16xf32>
      %xor3A_359 = arith.constant 1 : i32
      %xor3A_360 = vector.broadcast %xor3A_359 : i32 to vector<16xi32>
      %xor3A_361 = arith.xori %iota3A, %xor3A_360 : vector<16xi32>
      %broadcast_in_dim3A_362 = vector.shape_cast %xor3A_361 : vector<16xi32> to vector<16x1xi32>
      %gather3A_363 = vector.shape_cast %broadcast_in_dim3A_362 : vector<16x1xi32> to vector<16xi32>
      %gather3A_364 = tpu.dynamic_gather %add3A_358[%gather3A_363] in [0] : vector<16xf32>, vector<16xi32> -> vector<16xf32>
      %add3A_365 = arith.addf %add3A_358, %gather3A_364 : vector<16xf32>
      %eq3A_366 = arith.constant 3 : i32
      %eq3A_367 = vector.broadcast %eq3A_366 : i32 to vector<16xi32>
      %eq3A_368 = arith.cmpi eq, %iota3A, %eq3A_367 : vector<16xi32>
      %select_n3A_369 = arith.select %eq3A_368, %add3A_365, %select_n3A_316 : vector<16xi1>, vector<16xf32>
      %slice3A_370 = vector.extract_strided_slice %and3A_154 {offsets = [4], sizes = [1], strides = [1]} : vector<16xi32> to vector<1xi32>
      %squeeze3A_371 = vector.extract %slice3A_370[0] : i32 from vector<1xi32>
      %slice3A_372 = vector.extract_strided_slice %and3A_162 {offsets = [4], sizes = [1], strides = [1]} : vector<16xi32> to vector<1xi32>
      %squeeze3A_373 = vector.extract %slice3A_372[0] : i32 from vector<1xi32>
      %add3A_374 = arith.constant 4 : i32
      %add3A_375 = arith.addi %mul3A_148, %add3A_374 : i32
      %mul3A_376 = arith.constant 16 : i32
      %mul3A_377 = arith.muli %squeeze3A_371, %mul3A_376 : i32
      %get3A_378 = arith.index_cast %add3A_375 : i32 to index
      %get3A_379 = arith.index_cast %mul3A_377 : i32 to index
      %get3A_380 = tpu.vector_load %arg10[%get3A_378, %get3A_379] {strides = array<i32>} : memref<256x128xf32, #tpu.memory_space<vmem>>, vector<1x16xf32>,
      %get3A_381 = vector.shape_cast %get3A_380 : vector<1x16xf32> to vector<16xf32>
      %add3A_382 = arith.constant 4 : i32
      %add3A_383 = arith.addi %mul3A_148, %add3A_382 : i32
      %mul3A_384 = arith.constant 16 : i32
      %mul3A_385 = arith.muli %squeeze3A_373, %mul3A_384 : i32
      %get3A_386 = arith.index_cast %add3A_383 : i32 to index
      %get3A_387 = arith.index_cast %mul3A_385 : i32 to index
      %get3A_388 = tpu.vector_load %arg11[%get3A_386, %get3A_387] {strides = array<i32>} : memref<256x128xf32, #tpu.memory_space<vmem>>, vector<1x16xf32>,
      %get3A_389 = vector.shape_cast %get3A_388 : vector<1x16xf32> to vector<16xf32>
      %mul3A_390 = arith.mulf %get3A_381, %get3A_389 : vector<16xf32>
      %xor3A_391 = arith.constant 8 : i32
      %xor3A_392 = vector.broadcast %xor3A_391 : i32 to vector<16xi32>
      %xor3A_393 = arith.xori %iota3A, %xor3A_392 : vector<16xi32>
      %broadcast_in_dim3A_394 = vector.shape_cast %xor3A_393 : vector<16xi32> to vector<16x1xi32>
      %gather3A_395 = vector.shape_cast %broadcast_in_dim3A_394 : vector<16x1xi32> to vector<16xi32>
      %gather3A_396 = tpu.dynamic_gather %mul3A_390[%gather3A_395] in [0] : vector<16xf32>, vector<16xi32> -> vector<16xf32>
      %add3A_397 = arith.addf %mul3A_390, %gather3A_396 : vector<16xf32>
      %xor3A_398 = arith.constant 4 : i32
      %xor3A_399 = vector.broadcast %xor3A_398 : i32 to vector<16xi32>
      %xor3A_400 = arith.xori %iota3A, %xor3A_399 : vector<16xi32>
      %broadcast_in_dim3A_401 = vector.shape_cast %xor3A_400 : vector<16xi32> to vector<16x1xi32>
      %gather3A_402 = vector.shape_cast %broadcast_in_dim3A_401 : vector<16x1xi32> to vector<16xi32>
      %gather3A_403 = tpu.dynamic_gather %add3A_397[%gather3A_402] in [0] : vector<16xf32>, vector<16xi32> -> vector<16xf32>
      %add3A_404 = arith.addf %add3A_397, %gather3A_403 : vector<16xf32>
      %xor3A_405 = arith.constant 2 : i32
      %xor3A_406 = vector.broadcast %xor3A_405 : i32 to vector<16xi32>
      %xor3A_407 = arith.xori %iota3A, %xor3A_406 : vector<16xi32>
      %broadcast_in_dim3A_408 = vector.shape_cast %xor3A_407 : vector<16xi32> to vector<16x1xi32>
      %gather3A_409 = vector.shape_cast %broadcast_in_dim3A_408 : vector<16x1xi32> to vector<16xi32>
      %gather3A_410 = tpu.dynamic_gather %add3A_404[%gather3A_409] in [0] : vector<16xf32>, vector<16xi32> -> vector<16xf32>
      %add3A_411 = arith.addf %add3A_404, %gather3A_410 : vector<16xf32>
      %xor3A_412 = arith.constant 1 : i32
      %xor3A_413 = vector.broadcast %xor3A_412 : i32 to vector<16xi32>
      %xor3A_414 = arith.xori %iota3A, %xor3A_413 : vector<16xi32>
      %broadcast_in_dim3A_415 = vector.shape_cast %xor3A_414 : vector<16xi32> to vector<16x1xi32>
      %gather3A_416 = vector.shape_cast %broadcast_in_dim3A_415 : vector<16x1xi32> to vector<16xi32>
      %gather3A_417 = tpu.dynamic_gather %add3A_411[%gather3A_416] in [0] : vector<16xf32>, vector<16xi32> -> vector<16xf32>
      %add3A_418 = arith.addf %add3A_411, %gather3A_417 : vector<16xf32>
      %eq3A_419 = arith.constant 4 : i32
      %eq3A_420 = vector.broadcast %eq3A_419 : i32 to vector<16xi32>
      %eq3A_421 = arith.cmpi eq, %iota3A, %eq3A_420 : vector<16xi32>
      %select_n3A_422 = arith.select %eq3A_421, %add3A_418, %select_n3A_369 : vector<16xi1>, vector<16xf32>
      %slice3A_423 = vector.extract_strided_slice %and3A_154 {offsets = [5], sizes = [1], strides = [1]} : vector<16xi32> to vector<1xi32>
      %squeeze3A_424 = vector.extract %slice3A_423[0] : i32 from vector<1xi32>
      %slice3A_425 = vector.extract_strided_slice %and3A_162 {offsets = [5], sizes = [1], strides = [1]} : vector<16xi32> to vector<1xi32>
      %squeeze3A_426 = vector.extract %slice3A_425[0] : i32 from vector<1xi32>
      %add3A_427 = arith.constant 5 : i32
      %add3A_428 = arith.addi %mul3A_148, %add3A_427 : i32
      %mul3A_429 = arith.constant 16 : i32
      %mul3A_430 = arith.muli %squeeze3A_424, %mul3A_429 : i32
      %get3A_431 = arith.index_cast %add3A_428 : i32 to index
      %get3A_432 = arith.index_cast %mul3A_430 : i32 to index
      %get3A_433 = tpu.vector_load %arg10[%get3A_431, %get3A_432] {strides = array<i32>} : memref<256x128xf32, #tpu.memory_space<vmem>>, vector<1x16xf32>,
      %get3A_434 = vector.shape_cast %get3A_433 : vector<1x16xf32> to vector<16xf32>
      %add3A_435 = arith.constant 5 : i32
      %add3A_436 = arith.addi %mul3A_148, %add3A_435 : i32
      %mul3A_437 = arith.constant 16 : i32
      %mul3A_438 = arith.muli %squeeze3A_426, %mul3A_437 : i32
      %get3A_439 = arith.index_cast %add3A_436 : i32 to index
      %get3A_440 = arith.index_cast %mul3A_438 : i32 to index
      %get3A_441 = tpu.vector_load %arg11[%get3A_439, %get3A_440] {strides = array<i32>} : memref<256x128xf32, #tpu.memory_space<vmem>>, vector<1x16xf32>,
      %get3A_442 = vector.shape_cast %get3A_441 : vector<1x16xf32> to vector<16xf32>
      %mul3A_443 = arith.mulf %get3A_434, %get3A_442 : vector<16xf32>
      %xor3A_444 = arith.constant 8 : i32
      %xor3A_445 = vector.broadcast %xor3A_444 : i32 to vector<16xi32>
      %xor3A_446 = arith.xori %iota3A, %xor3A_445 : vector<16xi32>
      %broadcast_in_dim3A_447 = vector.shape_cast %xor3A_446 : vector<16xi32> to vector<16x1xi32>
      %gather3A_448 = vector.shape_cast %broadcast_in_dim3A_447 : vector<16x1xi32> to vector<16xi32>
      %gather3A_449 = tpu.dynamic_gather %mul3A_443[%gather3A_448] in [0] : vector<16xf32>, vector<16xi32> -> vector<16xf32>
      %add3A_450 = arith.addf %mul3A_443, %gather3A_449 : vector<16xf32>
      %xor3A_451 = arith.constant 4 : i32
      %xor3A_452 = vector.broadcast %xor3A_451 : i32 to vector<16xi32>
      %xor3A_453 = arith.xori %iota3A, %xor3A_452 : vector<16xi32>
      %broadcast_in_dim3A_454 = vector.shape_cast %xor3A_453 : vector<16xi32> to vector<16x1xi32>
      %gather3A_455 = vector.shape_cast %broadcast_in_dim3A_454 : vector<16x1xi32> to vector<16xi32>
      %gather3A_456 = tpu.dynamic_gather %add3A_450[%gather3A_455] in [0] : vector<16xf32>, vector<16xi32> -> vector<16xf32>
      %add3A_457 = arith.addf %add3A_450, %gather3A_456 : vector<16xf32>
      %xor3A_458 = arith.constant 2 : i32
      %xor3A_459 = vector.broadcast %xor3A_458 : i32 to vector<16xi32>
      %xor3A_460 = arith.xori %iota3A, %xor3A_459 : vector<16xi32>
      %broadcast_in_dim3A_461 = vector.shape_cast %xor3A_460 : vector<16xi32> to vector<16x1xi32>
      %gather3A_462 = vector.shape_cast %broadcast_in_dim3A_461 : vector<16x1xi32> to vector<16xi32>
      %gather3A_463 = tpu.dynamic_gather %add3A_457[%gather3A_462] in [0] : vector<16xf32>, vector<16xi32> -> vector<16xf32>
      %add3A_464 = arith.addf %add3A_457, %gather3A_463 : vector<16xf32>
      %xor3A_465 = arith.constant 1 : i32
      %xor3A_466 = vector.broadcast %xor3A_465 : i32 to vector<16xi32>
      %xor3A_467 = arith.xori %iota3A, %xor3A_466 : vector<16xi32>
      %broadcast_in_dim3A_468 = vector.shape_cast %xor3A_467 : vector<16xi32> to vector<16x1xi32>
      %gather3A_469 = vector.shape_cast %broadcast_in_dim3A_468 : vector<16x1xi32> to vector<16xi32>
      %gather3A_470 = tpu.dynamic_gather %add3A_464[%gather3A_469] in [0] : vector<16xf32>, vector<16xi32> -> vector<16xf32>
      %add3A_471 = arith.addf %add3A_464, %gather3A_470 : vector<16xf32>
      %eq3A_472 = arith.constant 5 : i32
      %eq3A_473 = vector.broadcast %eq3A_472 : i32 to vector<16xi32>
      %eq3A_474 = arith.cmpi eq, %iota3A, %eq3A_473 : vector<16xi32>
      %select_n3A_475 = arith.select %eq3A_474, %add3A_471, %select_n3A_422 : vector<16xi1>, vector<16xf32>
      %slice3A_476 = vector.extract_strided_slice %and3A_154 {offsets = [6], sizes = [1], strides = [1]} : vector<16xi32> to vector<1xi32>
      %squeeze3A_477 = vector.extract %slice3A_476[0] : i32 from vector<1xi32>
      %slice3A_478 = vector.extract_strided_slice %and3A_162 {offsets = [6], sizes = [1], strides = [1]} : vector<16xi32> to vector<1xi32>
      %squeeze3A_479 = vector.extract %slice3A_478[0] : i32 from vector<1xi32>
      %add3A_480 = arith.constant 6 : i32
      %add3A_481 = arith.addi %mul3A_148, %add3A_480 : i32
      %mul3A_482 = arith.constant 16 : i32
      %mul3A_483 = arith.muli %squeeze3A_477, %mul3A_482 : i32
      %get3A_484 = arith.index_cast %add3A_481 : i32 to index
      %get3A_485 = arith.index_cast %mul3A_483 : i32 to index
      %get3A_486 = tpu.vector_load %arg10[%get3A_484, %get3A_485] {strides = array<i32>} : memref<256x128xf32, #tpu.memory_space<vmem>>, vector<1x16xf32>,
      %get3A_487 = vector.shape_cast %get3A_486 : vector<1x16xf32> to vector<16xf32>
      %add3A_488 = arith.constant 6 : i32
      %add3A_489 = arith.addi %mul3A_148, %add3A_488 : i32
      %mul3A_490 = arith.constant 16 : i32
      %mul3A_491 = arith.muli %squeeze3A_479, %mul3A_490 : i32
      %get3A_492 = arith.index_cast %add3A_489 : i32 to index
      %get3A_493 = arith.index_cast %mul3A_491 : i32 to index
      %get3A_494 = tpu.vector_load %arg11[%get3A_492, %get3A_493] {strides = array<i32>} : memref<256x128xf32, #tpu.memory_space<vmem>>, vector<1x16xf32>,
      %get3A_495 = vector.shape_cast %get3A_494 : vector<1x16xf32> to vector<16xf32>
      %mul3A_496 = arith.mulf %get3A_487, %get3A_495 : vector<16xf32>
      %xor3A_497 = arith.constant 8 : i32
      %xor3A_498 = vector.broadcast %xor3A_497 : i32 to vector<16xi32>
      %xor3A_499 = arith.xori %iota3A, %xor3A_498 : vector<16xi32>
      %broadcast_in_dim3A_500 = vector.shape_cast %xor3A_499 : vector<16xi32> to vector<16x1xi32>
      %gather3A_501 = vector.shape_cast %broadcast_in_dim3A_500 : vector<16x1xi32> to vector<16xi32>
      %gather3A_502 = tpu.dynamic_gather %mul3A_496[%gather3A_501] in [0] : vector<16xf32>, vector<16xi32> -> vector<16xf32>
      %add3A_503 = arith.addf %mul3A_496, %gather3A_502 : vector<16xf32>
      %xor3A_504 = arith.constant 4 : i32
      %xor3A_505 = vector.broadcast %xor3A_504 : i32 to vector<16xi32>
      %xor3A_506 = arith.xori %iota3A, %xor3A_505 : vector<16xi32>
      %broadcast_in_dim3A_507 = vector.shape_cast %xor3A_506 : vector<16xi32> to vector<16x1xi32>
      %gather3A_508 = vector.shape_cast %broadcast_in_dim3A_507 : vector<16x1xi32> to vector<16xi32>
      %gather3A_509 = tpu.dynamic_gather %add3A_503[%gather3A_508] in [0] : vector<16xf32>, vector<16xi32> -> vector<16xf32>
      %add3A_510 = arith.addf %add3A_503, %gather3A_509 : vector<16xf32>
      %xor3A_511 = arith.constant 2 : i32
      %xor3A_512 = vector.broadcast %xor3A_511 : i32 to vector<16xi32>
      %xor3A_513 = arith.xori %iota3A, %xor3A_512 : vector<16xi32>
      %broadcast_in_dim3A_514 = vector.shape_cast %xor3A_513 : vector<16xi32> to vector<16x1xi32>
      %gather3A_515 = vector.shape_cast %broadcast_in_dim3A_514 : vector<16x1xi32> to vector<16xi32>
      %gather3A_516 = tpu.dynamic_gather %add3A_510[%gather3A_515] in [0] : vector<16xf32>, vector<16xi32> -> vector<16xf32>
      %add3A_517 = arith.addf %add3A_510, %gather3A_516 : vector<16xf32>
      %xor3A_518 = arith.constant 1 : i32
      %xor3A_519 = vector.broadcast %xor3A_518 : i32 to vector<16xi32>
      %xor3A_520 = arith.xori %iota3A, %xor3A_519 : vector<16xi32>
      %broadcast_in_dim3A_521 = vector.shape_cast %xor3A_520 : vector<16xi32> to vector<16x1xi32>
      %gather3A_522 = vector.shape_cast %broadcast_in_dim3A_521 : vector<16x1xi32> to vector<16xi32>
      %gather3A_523 = tpu.dynamic_gather %add3A_517[%gather3A_522] in [0] : vector<16xf32>, vector<16xi32> -> vector<16xf32>
      %add3A_524 = arith.addf %add3A_517, %gather3A_523 : vector<16xf32>
      %eq3A_525 = arith.constant 6 : i32
      %eq3A_526 = vector.broadcast %eq3A_525 : i32 to vector<16xi32>
      %eq3A_527 = arith.cmpi eq, %iota3A, %eq3A_526 : vector<16xi32>
      %select_n3A_528 = arith.select %eq3A_527, %add3A_524, %select_n3A_475 : vector<16xi1>, vector<16xf32>
      %slice3A_529 = vector.extract_strided_slice %and3A_154 {offsets = [7], sizes = [1], strides = [1]} : vector<16xi32> to vector<1xi32>
      %squeeze3A_530 = vector.extract %slice3A_529[0] : i32 from vector<1xi32>
      %slice3A_531 = vector.extract_strided_slice %and3A_162 {offsets = [7], sizes = [1], strides = [1]} : vector<16xi32> to vector<1xi32>
      %squeeze3A_532 = vector.extract %slice3A_531[0] : i32 from vector<1xi32>
      %add3A_533 = arith.constant 7 : i32
      %add3A_534 = arith.addi %mul3A_148, %add3A_533 : i32
      %mul3A_535 = arith.constant 16 : i32
      %mul3A_536 = arith.muli %squeeze3A_530, %mul3A_535 : i32
      %get3A_537 = arith.index_cast %add3A_534 : i32 to index
      %get3A_538 = arith.index_cast %mul3A_536 : i32 to index
      %get3A_539 = tpu.vector_load %arg10[%get3A_537, %get3A_538] {strides = array<i32>} : memref<256x128xf32, #tpu.memory_space<vmem>>, vector<1x16xf32>,
      %get3A_540 = vector.shape_cast %get3A_539 : vector<1x16xf32> to vector<16xf32>
      %add3A_541 = arith.constant 7 : i32
      %add3A_542 = arith.addi %mul3A_148, %add3A_541 : i32
      %mul3A_543 = arith.constant 16 : i32
      %mul3A_544 = arith.muli %squeeze3A_532, %mul3A_543 : i32
      %get3A_545 = arith.index_cast %add3A_542 : i32 to index
      %get3A_546 = arith.index_cast %mul3A_544 : i32 to index
      %get3A_547 = tpu.vector_load %arg11[%get3A_545, %get3A_546] {strides = array<i32>} : memref<256x128xf32, #tpu.memory_space<vmem>>, vector<1x16xf32>,
      %get3A_548 = vector.shape_cast %get3A_547 : vector<1x16xf32> to vector<16xf32>
      %mul3A_549 = arith.mulf %get3A_540, %get3A_548 : vector<16xf32>
      %xor3A_550 = arith.constant 8 : i32
      %xor3A_551 = vector.broadcast %xor3A_550 : i32 to vector<16xi32>
      %xor3A_552 = arith.xori %iota3A, %xor3A_551 : vector<16xi32>
      %broadcast_in_dim3A_553 = vector.shape_cast %xor3A_552 : vector<16xi32> to vector<16x1xi32>
      %gather3A_554 = vector.shape_cast %broadcast_in_dim3A_553 : vector<16x1xi32> to vector<16xi32>
      %gather3A_555 = tpu.dynamic_gather %mul3A_549[%gather3A_554] in [0] : vector<16xf32>, vector<16xi32> -> vector<16xf32>
      %add3A_556 = arith.addf %mul3A_549, %gather3A_555 : vector<16xf32>
      %xor3A_557 = arith.constant 4 : i32
      %xor3A_558 = vector.broadcast %xor3A_557 : i32 to vector<16xi32>
      %xor3A_559 = arith.xori %iota3A, %xor3A_558 : vector<16xi32>
      %broadcast_in_dim3A_560 = vector.shape_cast %xor3A_559 : vector<16xi32> to vector<16x1xi32>
      %gather3A_561 = vector.shape_cast %broadcast_in_dim3A_560 : vector<16x1xi32> to vector<16xi32>
      %gather3A_562 = tpu.dynamic_gather %add3A_556[%gather3A_561] in [0] : vector<16xf32>, vector<16xi32> -> vector<16xf32>
      %add3A_563 = arith.addf %add3A_556, %gather3A_562 : vector<16xf32>
      %xor3A_564 = arith.constant 2 : i32
      %xor3A_565 = vector.broadcast %xor3A_564 : i32 to vector<16xi32>
      %xor3A_566 = arith.xori %iota3A, %xor3A_565 : vector<16xi32>
      %broadcast_in_dim3A_567 = vector.shape_cast %xor3A_566 : vector<16xi32> to vector<16x1xi32>
      %gather3A_568 = vector.shape_cast %broadcast_in_dim3A_567 : vector<16x1xi32> to vector<16xi32>
      %gather3A_569 = tpu.dynamic_gather %add3A_563[%gather3A_568] in [0] : vector<16xf32>, vector<16xi32> -> vector<16xf32>
      %add3A_570 = arith.addf %add3A_563, %gather3A_569 : vector<16xf32>
      %xor3A_571 = arith.constant 1 : i32
      %xor3A_572 = vector.broadcast %xor3A_571 : i32 to vector<16xi32>
      %xor3A_573 = arith.xori %iota3A, %xor3A_572 : vector<16xi32>
      %broadcast_in_dim3A_574 = vector.shape_cast %xor3A_573 : vector<16xi32> to vector<16x1xi32>
      %gather3A_575 = vector.shape_cast %broadcast_in_dim3A_574 : vector<16x1xi32> to vector<16xi32>
      %gather3A_576 = tpu.dynamic_gather %add3A_570[%gather3A_575] in [0] : vector<16xf32>, vector<16xi32> -> vector<16xf32>
      %add3A_577 = arith.addf %add3A_570, %gather3A_576 : vector<16xf32>
      %eq3A_578 = arith.constant 7 : i32
      %eq3A_579 = vector.broadcast %eq3A_578 : i32 to vector<16xi32>
      %eq3A_580 = arith.cmpi eq, %iota3A, %eq3A_579 : vector<16xi32>
      %select_n3A_581 = arith.select %eq3A_580, %add3A_577, %select_n3A_528 : vector<16xi1>, vector<16xf32>
      %slice3A_582 = vector.extract_strided_slice %and3A_154 {offsets = [8], sizes = [1], strides = [1]} : vector<16xi32> to vector<1xi32>
      %squeeze3A_583 = vector.extract %slice3A_582[0] : i32 from vector<1xi32>
      %slice3A_584 = vector.extract_strided_slice %and3A_162 {offsets = [8], sizes = [1], strides = [1]} : vector<16xi32> to vector<1xi32>
      %squeeze3A_585 = vector.extract %slice3A_584[0] : i32 from vector<1xi32>
      %add3A_586 = arith.constant 8 : i32
      %add3A_587 = arith.addi %mul3A_148, %add3A_586 : i32
      %mul3A_588 = arith.constant 16 : i32
      %mul3A_589 = arith.muli %squeeze3A_583, %mul3A_588 : i32
      %get3A_590 = arith.index_cast %add3A_587 : i32 to index
      %get3A_591 = arith.index_cast %mul3A_589 : i32 to index
      %get3A_592 = tpu.vector_load %arg10[%get3A_590, %get3A_591] {strides = array<i32>} : memref<256x128xf32, #tpu.memory_space<vmem>>, vector<1x16xf32>,
      %get3A_593 = vector.shape_cast %get3A_592 : vector<1x16xf32> to vector<16xf32>
      %add3A_594 = arith.constant 8 : i32
      %add3A_595 = arith.addi %mul3A_148, %add3A_594 : i32
      %mul3A_596 = arith.constant 16 : i32
      %mul3A_597 = arith.muli %squeeze3A_585, %mul3A_596 : i32
      %get3A_598 = arith.index_cast %add3A_595 : i32 to index
      %get3A_599 = arith.index_cast %mul3A_597 : i32 to index
      %get3A_600 = tpu.vector_load %arg11[%get3A_598, %get3A_599] {strides = array<i32>} : memref<256x128xf32, #tpu.memory_space<vmem>>, vector<1x16xf32>,
      %get3A_601 = vector.shape_cast %get3A_600 : vector<1x16xf32> to vector<16xf32>
      %mul3A_602 = arith.mulf %get3A_593, %get3A_601 : vector<16xf32>
      %xor3A_603 = arith.constant 8 : i32
      %xor3A_604 = vector.broadcast %xor3A_603 : i32 to vector<16xi32>
      %xor3A_605 = arith.xori %iota3A, %xor3A_604 : vector<16xi32>
      %broadcast_in_dim3A_606 = vector.shape_cast %xor3A_605 : vector<16xi32> to vector<16x1xi32>
      %gather3A_607 = vector.shape_cast %broadcast_in_dim3A_606 : vector<16x1xi32> to vector<16xi32>
      %gather3A_608 = tpu.dynamic_gather %mul3A_602[%gather3A_607] in [0] : vector<16xf32>, vector<16xi32> -> vector<16xf32>
      %add3A_609 = arith.addf %mul3A_602, %gather3A_608 : vector<16xf32>
      %xor3A_610 = arith.constant 4 : i32
      %xor3A_611 = vector.broadcast %xor3A_610 : i32 to vector<16xi32>
      %xor3A_612 = arith.xori %iota3A, %xor3A_611 : vector<16xi32>
      %broadcast_in_dim3A_613 = vector.shape_cast %xor3A_612 : vector<16xi32> to vector<16x1xi32>
      %gather3A_614 = vector.shape_cast %broadcast_in_dim3A_613 : vector<16x1xi32> to vector<16xi32>
      %gather3A_615 = tpu.dynamic_gather %add3A_609[%gather3A_614] in [0] : vector<16xf32>, vector<16xi32> -> vector<16xf32>
      %add3A_616 = arith.addf %add3A_609, %gather3A_615 : vector<16xf32>
      %xor3A_617 = arith.constant 2 : i32
      %xor3A_618 = vector.broadcast %xor3A_617 : i32 to vector<16xi32>
      %xor3A_619 = arith.xori %iota3A, %xor3A_618 : vector<16xi32>
      %broadcast_in_dim3A_620 = vector.shape_cast %xor3A_619 : vector<16xi32> to vector<16x1xi32>
      %gather3A_621 = vector.shape_cast %broadcast_in_dim3A_620 : vector<16x1xi32> to vector<16xi32>
      %gather3A_622 = tpu.dynamic_gather %add3A_616[%gather3A_621] in [0] : vector<16xf32>, vector<16xi32> -> vector<16xf32>
      %add3A_623 = arith.addf %add3A_616, %gather3A_622 : vector<16xf32>
      %xor3A_624 = arith.constant 1 : i32
      %xor3A_625 = vector.broadcast %xor3A_624 : i32 to vector<16xi32>
      %xor3A_626 = arith.xori %iota3A, %xor3A_625 : vector<16xi32>
      %broadcast_in_dim3A_627 = vector.shape_cast %xor3A_626 : vector<16xi32> to vector<16x1xi32>
      %gather3A_628 = vector.shape_cast %broadcast_in_dim3A_627 : vector<16x1xi32> to vector<16xi32>
      %gather3A_629 = tpu.dynamic_gather %add3A_623[%gather3A_628] in [0] : vector<16xf32>, vector<16xi32> -> vector<16xf32>
      %add3A_630 = arith.addf %add3A_623, %gather3A_629 : vector<16xf32>
      %eq3A_631 = arith.constant 8 : i32
      %eq3A_632 = vector.broadcast %eq3A_631 : i32 to vector<16xi32>
      %eq3A_633 = arith.cmpi eq, %iota3A, %eq3A_632 : vector<16xi32>
      %select_n3A_634 = arith.select %eq3A_633, %add3A_630, %select_n3A_581 : vector<16xi1>, vector<16xf32>
      %slice3A_635 = vector.extract_strided_slice %and3A_154 {offsets = [9], sizes = [1], strides = [1]} : vector<16xi32> to vector<1xi32>
      %squeeze3A_636 = vector.extract %slice3A_635[0] : i32 from vector<1xi32>
      %slice3A_637 = vector.extract_strided_slice %and3A_162 {offsets = [9], sizes = [1], strides = [1]} : vector<16xi32> to vector<1xi32>
      %squeeze3A_638 = vector.extract %slice3A_637[0] : i32 from vector<1xi32>
      %add3A_639 = arith.constant 9 : i32
      %add3A_640 = arith.addi %mul3A_148, %add3A_639 : i32
      %mul3A_641 = arith.constant 16 : i32
      %mul3A_642 = arith.muli %squeeze3A_636, %mul3A_641 : i32
      %get3A_643 = arith.index_cast %add3A_640 : i32 to index
      %get3A_644 = arith.index_cast %mul3A_642 : i32 to index
      %get3A_645 = tpu.vector_load %arg10[%get3A_643, %get3A_644] {strides = array<i32>} : memref<256x128xf32, #tpu.memory_space<vmem>>, vector<1x16xf32>,
      %get3A_646 = vector.shape_cast %get3A_645 : vector<1x16xf32> to vector<16xf32>
      %add3A_647 = arith.constant 9 : i32
      %add3A_648 = arith.addi %mul3A_148, %add3A_647 : i32
      %mul3A_649 = arith.constant 16 : i32
      %mul3A_650 = arith.muli %squeeze3A_638, %mul3A_649 : i32
      %get3A_651 = arith.index_cast %add3A_648 : i32 to index
      %get3A_652 = arith.index_cast %mul3A_650 : i32 to index
      %get3A_653 = tpu.vector_load %arg11[%get3A_651, %get3A_652] {strides = array<i32>} : memref<256x128xf32, #tpu.memory_space<vmem>>, vector<1x16xf32>,
      %get3A_654 = vector.shape_cast %get3A_653 : vector<1x16xf32> to vector<16xf32>
      %mul3A_655 = arith.mulf %get3A_646, %get3A_654 : vector<16xf32>
      %xor3A_656 = arith.constant 8 : i32
      %xor3A_657 = vector.broadcast %xor3A_656 : i32 to vector<16xi32>
      %xor3A_658 = arith.xori %iota3A, %xor3A_657 : vector<16xi32>
      %broadcast_in_dim3A_659 = vector.shape_cast %xor3A_658 : vector<16xi32> to vector<16x1xi32>
      %gather3A_660 = vector.shape_cast %broadcast_in_dim3A_659 : vector<16x1xi32> to vector<16xi32>
      %gather3A_661 = tpu.dynamic_gather %mul3A_655[%gather3A_660] in [0] : vector<16xf32>, vector<16xi32> -> vector<16xf32>
      %add3A_662 = arith.addf %mul3A_655, %gather3A_661 : vector<16xf32>
      %xor3A_663 = arith.constant 4 : i32
      %xor3A_664 = vector.broadcast %xor3A_663 : i32 to vector<16xi32>
      %xor3A_665 = arith.xori %iota3A, %xor3A_664 : vector<16xi32>
      %broadcast_in_dim3A_666 = vector.shape_cast %xor3A_665 : vector<16xi32> to vector<16x1xi32>
      %gather3A_667 = vector.shape_cast %broadcast_in_dim3A_666 : vector<16x1xi32> to vector<16xi32>
      %gather3A_668 = tpu.dynamic_gather %add3A_662[%gather3A_667] in [0] : vector<16xf32>, vector<16xi32> -> vector<16xf32>
      %add3A_669 = arith.addf %add3A_662, %gather3A_668 : vector<16xf32>
      %xor3A_670 = arith.constant 2 : i32
      %xor3A_671 = vector.broadcast %xor3A_670 : i32 to vector<16xi32>
      %xor3A_672 = arith.xori %iota3A, %xor3A_671 : vector<16xi32>
      %broadcast_in_dim3A_673 = vector.shape_cast %xor3A_672 : vector<16xi32> to vector<16x1xi32>
      %gather3A_674 = vector.shape_cast %broadcast_in_dim3A_673 : vector<16x1xi32> to vector<16xi32>
      %gather3A_675 = tpu.dynamic_gather %add3A_669[%gather3A_674] in [0] : vector<16xf32>, vector<16xi32> -> vector<16xf32>
      %add3A_676 = arith.addf %add3A_669, %gather3A_675 : vector<16xf32>
      %xor3A_677 = arith.constant 1 : i32
      %xor3A_678 = vector.broadcast %xor3A_677 : i32 to vector<16xi32>
      %xor3A_679 = arith.xori %iota3A, %xor3A_678 : vector<16xi32>
      %broadcast_in_dim3A_680 = vector.shape_cast %xor3A_679 : vector<16xi32> to vector<16x1xi32>
      %gather3A_681 = vector.shape_cast %broadcast_in_dim3A_680 : vector<16x1xi32> to vector<16xi32>
      %gather3A_682 = tpu.dynamic_gather %add3A_676[%gather3A_681] in [0] : vector<16xf32>, vector<16xi32> -> vector<16xf32>
      %add3A_683 = arith.addf %add3A_676, %gather3A_682 : vector<16xf32>
      %eq3A_684 = arith.constant 9 : i32
      %eq3A_685 = vector.broadcast %eq3A_684 : i32 to vector<16xi32>
      %eq3A_686 = arith.cmpi eq, %iota3A, %eq3A_685 : vector<16xi32>
      %select_n3A_687 = arith.select %eq3A_686, %add3A_683, %select_n3A_634 : vector<16xi1>, vector<16xf32>
      %slice3A_688 = vector.extract_strided_slice %and3A_154 {offsets = [10], sizes = [1], strides = [1]} : vector<16xi32> to vector<1xi32>
      %squeeze3A_689 = vector.extract %slice3A_688[0] : i32 from vector<1xi32>
      %slice3A_690 = vector.extract_strided_slice %and3A_162 {offsets = [10], sizes = [1], strides = [1]} : vector<16xi32> to vector<1xi32>
      %squeeze3A_691 = vector.extract %slice3A_690[0] : i32 from vector<1xi32>
      %add3A_692 = arith.constant 10 : i32
      %add3A_693 = arith.addi %mul3A_148, %add3A_692 : i32
      %mul3A_694 = arith.constant 16 : i32
      %mul3A_695 = arith.muli %squeeze3A_689, %mul3A_694 : i32
      %get3A_696 = arith.index_cast %add3A_693 : i32 to index
      %get3A_697 = arith.index_cast %mul3A_695 : i32 to index
      %get3A_698 = tpu.vector_load %arg10[%get3A_696, %get3A_697] {strides = array<i32>} : memref<256x128xf32, #tpu.memory_space<vmem>>, vector<1x16xf32>,
      %get3A_699 = vector.shape_cast %get3A_698 : vector<1x16xf32> to vector<16xf32>
      %add3A_700 = arith.constant 10 : i32
      %add3A_701 = arith.addi %mul3A_148, %add3A_700 : i32
      %mul3A_702 = arith.constant 16 : i32
      %mul3A_703 = arith.muli %squeeze3A_691, %mul3A_702 : i32
      %get3A_704 = arith.index_cast %add3A_701 : i32 to index
      %get3A_705 = arith.index_cast %mul3A_703 : i32 to index
      %get3A_706 = tpu.vector_load %arg11[%get3A_704, %get3A_705] {strides = array<i32>} : memref<256x128xf32, #tpu.memory_space<vmem>>, vector<1x16xf32>,
      %get3A_707 = vector.shape_cast %get3A_706 : vector<1x16xf32> to vector<16xf32>
      %mul3A_708 = arith.mulf %get3A_699, %get3A_707 : vector<16xf32>
      %xor3A_709 = arith.constant 8 : i32
      %xor3A_710 = vector.broadcast %xor3A_709 : i32 to vector<16xi32>
      %xor3A_711 = arith.xori %iota3A, %xor3A_710 : vector<16xi32>
      %broadcast_in_dim3A_712 = vector.shape_cast %xor3A_711 : vector<16xi32> to vector<16x1xi32>
      %gather3A_713 = vector.shape_cast %broadcast_in_dim3A_712 : vector<16x1xi32> to vector<16xi32>
      %gather3A_714 = tpu.dynamic_gather %mul3A_708[%gather3A_713] in [0] : vector<16xf32>, vector<16xi32> -> vector<16xf32>
      %add3A_715 = arith.addf %mul3A_708, %gather3A_714 : vector<16xf32>
      %xor3A_716 = arith.constant 4 : i32
      %xor3A_717 = vector.broadcast %xor3A_716 : i32 to vector<16xi32>
      %xor3A_718 = arith.xori %iota3A, %xor3A_717 : vector<16xi32>
      %broadcast_in_dim3A_719 = vector.shape_cast %xor3A_718 : vector<16xi32> to vector<16x1xi32>
      %gather3A_720 = vector.shape_cast %broadcast_in_dim3A_719 : vector<16x1xi32> to vector<16xi32>
      %gather3A_721 = tpu.dynamic_gather %add3A_715[%gather3A_720] in [0] : vector<16xf32>, vector<16xi32> -> vector<16xf32>
      %add3A_722 = arith.addf %add3A_715, %gather3A_721 : vector<16xf32>
      %xor3A_723 = arith.constant 2 : i32
      %xor3A_724 = vector.broadcast %xor3A_723 : i32 to vector<16xi32>
      %xor3A_725 = arith.xori %iota3A, %xor3A_724 : vector<16xi32>
      %broadcast_in_dim3A_726 = vector.shape_cast %xor3A_725 : vector<16xi32> to vector<16x1xi32>
      %gather3A_727 = vector.shape_cast %broadcast_in_dim3A_726 : vector<16x1xi32> to vector<16xi32>
      %gather3A_728 = tpu.dynamic_gather %add3A_722[%gather3A_727] in [0] : vector<16xf32>, vector<16xi32> -> vector<16xf32>
      %add3A_729 = arith.addf %add3A_722, %gather3A_728 : vector<16xf32>
      %xor3A_730 = arith.constant 1 : i32
      %xor3A_731 = vector.broadcast %xor3A_730 : i32 to vector<16xi32>
      %xor3A_732 = arith.xori %iota3A, %xor3A_731 : vector<16xi32>
      %broadcast_in_dim3A_733 = vector.shape_cast %xor3A_732 : vector<16xi32> to vector<16x1xi32>
      %gather3A_734 = vector.shape_cast %broadcast_in_dim3A_733 : vector<16x1xi32> to vector<16xi32>
      %gather3A_735 = tpu.dynamic_gather %add3A_729[%gather3A_734] in [0] : vector<16xf32>, vector<16xi32> -> vector<16xf32>
      %add3A_736 = arith.addf %add3A_729, %gather3A_735 : vector<16xf32>
      %eq3A_737 = arith.constant 10 : i32
      %eq3A_738 = vector.broadcast %eq3A_737 : i32 to vector<16xi32>
      %eq3A_739 = arith.cmpi eq, %iota3A, %eq3A_738 : vector<16xi32>
      %select_n3A_740 = arith.select %eq3A_739, %add3A_736, %select_n3A_687 : vector<16xi1>, vector<16xf32>
      %slice3A_741 = vector.extract_strided_slice %and3A_154 {offsets = [11], sizes = [1], strides = [1]} : vector<16xi32> to vector<1xi32>
      %squeeze3A_742 = vector.extract %slice3A_741[0] : i32 from vector<1xi32>
      %slice3A_743 = vector.extract_strided_slice %and3A_162 {offsets = [11], sizes = [1], strides = [1]} : vector<16xi32> to vector<1xi32>
      %squeeze3A_744 = vector.extract %slice3A_743[0] : i32 from vector<1xi32>
      %add3A_745 = arith.constant 11 : i32
      %add3A_746 = arith.addi %mul3A_148, %add3A_745 : i32
      %mul3A_747 = arith.constant 16 : i32
      %mul3A_748 = arith.muli %squeeze3A_742, %mul3A_747 : i32
      %get3A_749 = arith.index_cast %add3A_746 : i32 to index
      %get3A_750 = arith.index_cast %mul3A_748 : i32 to index
      %get3A_751 = tpu.vector_load %arg10[%get3A_749, %get3A_750] {strides = array<i32>} : memref<256x128xf32, #tpu.memory_space<vmem>>, vector<1x16xf32>,
      %get3A_752 = vector.shape_cast %get3A_751 : vector<1x16xf32> to vector<16xf32>
      %add3A_753 = arith.constant 11 : i32
      %add3A_754 = arith.addi %mul3A_148, %add3A_753 : i32
      %mul3A_755 = arith.constant 16 : i32
      %mul3A_756 = arith.muli %squeeze3A_744, %mul3A_755 : i32
      %get3A_757 = arith.index_cast %add3A_754 : i32 to index
      %get3A_758 = arith.index_cast %mul3A_756 : i32 to index
      %get3A_759 = tpu.vector_load %arg11[%get3A_757, %get3A_758] {strides = array<i32>} : memref<256x128xf32, #tpu.memory_space<vmem>>, vector<1x16xf32>,
      %get3A_760 = vector.shape_cast %get3A_759 : vector<1x16xf32> to vector<16xf32>
      %mul3A_761 = arith.mulf %get3A_752, %get3A_760 : vector<16xf32>
      %xor3A_762 = arith.constant 8 : i32
      %xor3A_763 = vector.broadcast %xor3A_762 : i32 to vector<16xi32>
      %xor3A_764 = arith.xori %iota3A, %xor3A_763 : vector<16xi32>
      %broadcast_in_dim3A_765 = vector.shape_cast %xor3A_764 : vector<16xi32> to vector<16x1xi32>
      %gather3A_766 = vector.shape_cast %broadcast_in_dim3A_765 : vector<16x1xi32> to vector<16xi32>
      %gather3A_767 = tpu.dynamic_gather %mul3A_761[%gather3A_766] in [0] : vector<16xf32>, vector<16xi32> -> vector<16xf32>
      %add3A_768 = arith.addf %mul3A_761, %gather3A_767 : vector<16xf32>
      %xor3A_769 = arith.constant 4 : i32
      %xor3A_770 = vector.broadcast %xor3A_769 : i32 to vector<16xi32>
      %xor3A_771 = arith.xori %iota3A, %xor3A_770 : vector<16xi32>
      %broadcast_in_dim3A_772 = vector.shape_cast %xor3A_771 : vector<16xi32> to vector<16x1xi32>
      %gather3A_773 = vector.shape_cast %broadcast_in_dim3A_772 : vector<16x1xi32> to vector<16xi32>
      %gather3A_774 = tpu.dynamic_gather %add3A_768[%gather3A_773] in [0] : vector<16xf32>, vector<16xi32> -> vector<16xf32>
      %add3A_775 = arith.addf %add3A_768, %gather3A_774 : vector<16xf32>
      %xor3A_776 = arith.constant 2 : i32
      %xor3A_777 = vector.broadcast %xor3A_776 : i32 to vector<16xi32>
      %xor3A_778 = arith.xori %iota3A, %xor3A_777 : vector<16xi32>
      %broadcast_in_dim3A_779 = vector.shape_cast %xor3A_778 : vector<16xi32> to vector<16x1xi32>
      %gather3A_780 = vector.shape_cast %broadcast_in_dim3A_779 : vector<16x1xi32> to vector<16xi32>
      %gather3A_781 = tpu.dynamic_gather %add3A_775[%gather3A_780] in [0] : vector<16xf32>, vector<16xi32> -> vector<16xf32>
      %add3A_782 = arith.addf %add3A_775, %gather3A_781 : vector<16xf32>
      %xor3A_783 = arith.constant 1 : i32
      %xor3A_784 = vector.broadcast %xor3A_783 : i32 to vector<16xi32>
      %xor3A_785 = arith.xori %iota3A, %xor3A_784 : vector<16xi32>
      %broadcast_in_dim3A_786 = vector.shape_cast %xor3A_785 : vector<16xi32> to vector<16x1xi32>
      %gather3A_787 = vector.shape_cast %broadcast_in_dim3A_786 : vector<16x1xi32> to vector<16xi32>
      %gather3A_788 = tpu.dynamic_gather %add3A_782[%gather3A_787] in [0] : vector<16xf32>, vector<16xi32> -> vector<16xf32>
      %add3A_789 = arith.addf %add3A_782, %gather3A_788 : vector<16xf32>
      %eq3A_790 = arith.constant 11 : i32
      %eq3A_791 = vector.broadcast %eq3A_790 : i32 to vector<16xi32>
      %eq3A_792 = arith.cmpi eq, %iota3A, %eq3A_791 : vector<16xi32>
      %select_n3A_793 = arith.select %eq3A_792, %add3A_789, %select_n3A_740 : vector<16xi1>, vector<16xf32>
      %slice3A_794 = vector.extract_strided_slice %and3A_154 {offsets = [12], sizes = [1], strides = [1]} : vector<16xi32> to vector<1xi32>
      %squeeze3A_795 = vector.extract %slice3A_794[0] : i32 from vector<1xi32>
      %slice3A_796 = vector.extract_strided_slice %and3A_162 {offsets = [12], sizes = [1], strides = [1]} : vector<16xi32> to vector<1xi32>
      %squeeze3A_797 = vector.extract %slice3A_796[0] : i32 from vector<1xi32>
      %add3A_798 = arith.constant 12 : i32
      %add3A_799 = arith.addi %mul3A_148, %add3A_798 : i32
      %mul3A_800 = arith.constant 16 : i32
      %mul3A_801 = arith.muli %squeeze3A_795, %mul3A_800 : i32
      %get3A_802 = arith.index_cast %add3A_799 : i32 to index
      %get3A_803 = arith.index_cast %mul3A_801 : i32 to index
      %get3A_804 = tpu.vector_load %arg10[%get3A_802, %get3A_803] {strides = array<i32>} : memref<256x128xf32, #tpu.memory_space<vmem>>, vector<1x16xf32>,
      %get3A_805 = vector.shape_cast %get3A_804 : vector<1x16xf32> to vector<16xf32>
      %add3A_806 = arith.constant 12 : i32
      %add3A_807 = arith.addi %mul3A_148, %add3A_806 : i32
      %mul3A_808 = arith.constant 16 : i32
      %mul3A_809 = arith.muli %squeeze3A_797, %mul3A_808 : i32
      %get3A_810 = arith.index_cast %add3A_807 : i32 to index
      %get3A_811 = arith.index_cast %mul3A_809 : i32 to index
      %get3A_812 = tpu.vector_load %arg11[%get3A_810, %get3A_811] {strides = array<i32>} : memref<256x128xf32, #tpu.memory_space<vmem>>, vector<1x16xf32>,
      %get3A_813 = vector.shape_cast %get3A_812 : vector<1x16xf32> to vector<16xf32>
      %mul3A_814 = arith.mulf %get3A_805, %get3A_813 : vector<16xf32>
      %xor3A_815 = arith.constant 8 : i32
      %xor3A_816 = vector.broadcast %xor3A_815 : i32 to vector<16xi32>
      %xor3A_817 = arith.xori %iota3A, %xor3A_816 : vector<16xi32>
      %broadcast_in_dim3A_818 = vector.shape_cast %xor3A_817 : vector<16xi32> to vector<16x1xi32>
      %gather3A_819 = vector.shape_cast %broadcast_in_dim3A_818 : vector<16x1xi32> to vector<16xi32>
      %gather3A_820 = tpu.dynamic_gather %mul3A_814[%gather3A_819] in [0] : vector<16xf32>, vector<16xi32> -> vector<16xf32>
      %add3A_821 = arith.addf %mul3A_814, %gather3A_820 : vector<16xf32>
      %xor3A_822 = arith.constant 4 : i32
      %xor3A_823 = vector.broadcast %xor3A_822 : i32 to vector<16xi32>
      %xor3A_824 = arith.xori %iota3A, %xor3A_823 : vector<16xi32>
      %broadcast_in_dim3A_825 = vector.shape_cast %xor3A_824 : vector<16xi32> to vector<16x1xi32>
      %gather3A_826 = vector.shape_cast %broadcast_in_dim3A_825 : vector<16x1xi32> to vector<16xi32>
      %gather3A_827 = tpu.dynamic_gather %add3A_821[%gather3A_826] in [0] : vector<16xf32>, vector<16xi32> -> vector<16xf32>
      %add3A_828 = arith.addf %add3A_821, %gather3A_827 : vector<16xf32>
      %xor3A_829 = arith.constant 2 : i32
      %xor3A_830 = vector.broadcast %xor3A_829 : i32 to vector<16xi32>
      %xor3A_831 = arith.xori %iota3A, %xor3A_830 : vector<16xi32>
      %broadcast_in_dim3A_832 = vector.shape_cast %xor3A_831 : vector<16xi32> to vector<16x1xi32>
      %gather3A_833 = vector.shape_cast %broadcast_in_dim3A_832 : vector<16x1xi32> to vector<16xi32>
      %gather3A_834 = tpu.dynamic_gather %add3A_828[%gather3A_833] in [0] : vector<16xf32>, vector<16xi32> -> vector<16xf32>
      %add3A_835 = arith.addf %add3A_828, %gather3A_834 : vector<16xf32>
      %xor3A_836 = arith.constant 1 : i32
      %xor3A_837 = vector.broadcast %xor3A_836 : i32 to vector<16xi32>
      %xor3A_838 = arith.xori %iota3A, %xor3A_837 : vector<16xi32>
      %broadcast_in_dim3A_839 = vector.shape_cast %xor3A_838 : vector<16xi32> to vector<16x1xi32>
      %gather3A_840 = vector.shape_cast %broadcast_in_dim3A_839 : vector<16x1xi32> to vector<16xi32>
      %gather3A_841 = tpu.dynamic_gather %add3A_835[%gather3A_840] in [0] : vector<16xf32>, vector<16xi32> -> vector<16xf32>
      %add3A_842 = arith.addf %add3A_835, %gather3A_841 : vector<16xf32>
      %eq3A_843 = arith.constant 12 : i32
      %eq3A_844 = vector.broadcast %eq3A_843 : i32 to vector<16xi32>
      %eq3A_845 = arith.cmpi eq, %iota3A, %eq3A_844 : vector<16xi32>
      %select_n3A_846 = arith.select %eq3A_845, %add3A_842, %select_n3A_793 : vector<16xi1>, vector<16xf32>
      %slice3A_847 = vector.extract_strided_slice %and3A_154 {offsets = [13], sizes = [1], strides = [1]} : vector<16xi32> to vector<1xi32>
      %squeeze3A_848 = vector.extract %slice3A_847[0] : i32 from vector<1xi32>
      %slice3A_849 = vector.extract_strided_slice %and3A_162 {offsets = [13], sizes = [1], strides = [1]} : vector<16xi32> to vector<1xi32>
      %squeeze3A_850 = vector.extract %slice3A_849[0] : i32 from vector<1xi32>
      %add3A_851 = arith.constant 13 : i32
      %add3A_852 = arith.addi %mul3A_148, %add3A_851 : i32
      %mul3A_853 = arith.constant 16 : i32
      %mul3A_854 = arith.muli %squeeze3A_848, %mul3A_853 : i32
      %get3A_855 = arith.index_cast %add3A_852 : i32 to index
      %get3A_856 = arith.index_cast %mul3A_854 : i32 to index
      %get3A_857 = tpu.vector_load %arg10[%get3A_855, %get3A_856] {strides = array<i32>} : memref<256x128xf32, #tpu.memory_space<vmem>>, vector<1x16xf32>,
      %get3A_858 = vector.shape_cast %get3A_857 : vector<1x16xf32> to vector<16xf32>
      %add3A_859 = arith.constant 13 : i32
      %add3A_860 = arith.addi %mul3A_148, %add3A_859 : i32
      %mul3A_861 = arith.constant 16 : i32
      %mul3A_862 = arith.muli %squeeze3A_850, %mul3A_861 : i32
      %get3A_863 = arith.index_cast %add3A_860 : i32 to index
      %get3A_864 = arith.index_cast %mul3A_862 : i32 to index
      %get3A_865 = tpu.vector_load %arg11[%get3A_863, %get3A_864] {strides = array<i32>} : memref<256x128xf32, #tpu.memory_space<vmem>>, vector<1x16xf32>,
      %get3A_866 = vector.shape_cast %get3A_865 : vector<1x16xf32> to vector<16xf32>
      %mul3A_867 = arith.mulf %get3A_858, %get3A_866 : vector<16xf32>
      %xor3A_868 = arith.constant 8 : i32
      %xor3A_869 = vector.broadcast %xor3A_868 : i32 to vector<16xi32>
      %xor3A_870 = arith.xori %iota3A, %xor3A_869 : vector<16xi32>
      %broadcast_in_dim3A_871 = vector.shape_cast %xor3A_870 : vector<16xi32> to vector<16x1xi32>
      %gather3A_872 = vector.shape_cast %broadcast_in_dim3A_871 : vector<16x1xi32> to vector<16xi32>
      %gather3A_873 = tpu.dynamic_gather %mul3A_867[%gather3A_872] in [0] : vector<16xf32>, vector<16xi32> -> vector<16xf32>
      %add3A_874 = arith.addf %mul3A_867, %gather3A_873 : vector<16xf32>
      %xor3A_875 = arith.constant 4 : i32
      %xor3A_876 = vector.broadcast %xor3A_875 : i32 to vector<16xi32>
      %xor3A_877 = arith.xori %iota3A, %xor3A_876 : vector<16xi32>
      %broadcast_in_dim3A_878 = vector.shape_cast %xor3A_877 : vector<16xi32> to vector<16x1xi32>
      %gather3A_879 = vector.shape_cast %broadcast_in_dim3A_878 : vector<16x1xi32> to vector<16xi32>
      %gather3A_880 = tpu.dynamic_gather %add3A_874[%gather3A_879] in [0] : vector<16xf32>, vector<16xi32> -> vector<16xf32>
      %add3A_881 = arith.addf %add3A_874, %gather3A_880 : vector<16xf32>
      %xor3A_882 = arith.constant 2 : i32
      %xor3A_883 = vector.broadcast %xor3A_882 : i32 to vector<16xi32>
      %xor3A_884 = arith.xori %iota3A, %xor3A_883 : vector<16xi32>
      %broadcast_in_dim3A_885 = vector.shape_cast %xor3A_884 : vector<16xi32> to vector<16x1xi32>
      %gather3A_886 = vector.shape_cast %broadcast_in_dim3A_885 : vector<16x1xi32> to vector<16xi32>
      %gather3A_887 = tpu.dynamic_gather %add3A_881[%gather3A_886] in [0] : vector<16xf32>, vector<16xi32> -> vector<16xf32>
      %add3A_888 = arith.addf %add3A_881, %gather3A_887 : vector<16xf32>
      %xor3A_889 = arith.constant 1 : i32
      %xor3A_890 = vector.broadcast %xor3A_889 : i32 to vector<16xi32>
      %xor3A_891 = arith.xori %iota3A, %xor3A_890 : vector<16xi32>
      %broadcast_in_dim3A_892 = vector.shape_cast %xor3A_891 : vector<16xi32> to vector<16x1xi32>
      %gather3A_893 = vector.shape_cast %broadcast_in_dim3A_892 : vector<16x1xi32> to vector<16xi32>
      %gather3A_894 = tpu.dynamic_gather %add3A_888[%gather3A_893] in [0] : vector<16xf32>, vector<16xi32> -> vector<16xf32>
      %add3A_895 = arith.addf %add3A_888, %gather3A_894 : vector<16xf32>
      %eq3A_896 = arith.constant 13 : i32
      %eq3A_897 = vector.broadcast %eq3A_896 : i32 to vector<16xi32>
      %eq3A_898 = arith.cmpi eq, %iota3A, %eq3A_897 : vector<16xi32>
      %select_n3A_899 = arith.select %eq3A_898, %add3A_895, %select_n3A_846 : vector<16xi1>, vector<16xf32>
      %slice3A_900 = vector.extract_strided_slice %and3A_154 {offsets = [14], sizes = [1], strides = [1]} : vector<16xi32> to vector<1xi32>
      %squeeze3A_901 = vector.extract %slice3A_900[0] : i32 from vector<1xi32>
      %slice3A_902 = vector.extract_strided_slice %and3A_162 {offsets = [14], sizes = [1], strides = [1]} : vector<16xi32> to vector<1xi32>
      %squeeze3A_903 = vector.extract %slice3A_902[0] : i32 from vector<1xi32>
      %add3A_904 = arith.constant 14 : i32
      %add3A_905 = arith.addi %mul3A_148, %add3A_904 : i32
      %mul3A_906 = arith.constant 16 : i32
      %mul3A_907 = arith.muli %squeeze3A_901, %mul3A_906 : i32
      %get3A_908 = arith.index_cast %add3A_905 : i32 to index
      %get3A_909 = arith.index_cast %mul3A_907 : i32 to index
      %get3A_910 = tpu.vector_load %arg10[%get3A_908, %get3A_909] {strides = array<i32>} : memref<256x128xf32, #tpu.memory_space<vmem>>, vector<1x16xf32>,
      %get3A_911 = vector.shape_cast %get3A_910 : vector<1x16xf32> to vector<16xf32>
      %add3A_912 = arith.constant 14 : i32
      %add3A_913 = arith.addi %mul3A_148, %add3A_912 : i32
      %mul3A_914 = arith.constant 16 : i32
      %mul3A_915 = arith.muli %squeeze3A_903, %mul3A_914 : i32
      %get3A_916 = arith.index_cast %add3A_913 : i32 to index
      %get3A_917 = arith.index_cast %mul3A_915 : i32 to index
      %get3A_918 = tpu.vector_load %arg11[%get3A_916, %get3A_917] {strides = array<i32>} : memref<256x128xf32, #tpu.memory_space<vmem>>, vector<1x16xf32>,
      %get3A_919 = vector.shape_cast %get3A_918 : vector<1x16xf32> to vector<16xf32>
      %mul3A_920 = arith.mulf %get3A_911, %get3A_919 : vector<16xf32>
      %xor3A_921 = arith.constant 8 : i32
      %xor3A_922 = vector.broadcast %xor3A_921 : i32 to vector<16xi32>
      %xor3A_923 = arith.xori %iota3A, %xor3A_922 : vector<16xi32>
      %broadcast_in_dim3A_924 = vector.shape_cast %xor3A_923 : vector<16xi32> to vector<16x1xi32>
      %gather3A_925 = vector.shape_cast %broadcast_in_dim3A_924 : vector<16x1xi32> to vector<16xi32>
      %gather3A_926 = tpu.dynamic_gather %mul3A_920[%gather3A_925] in [0] : vector<16xf32>, vector<16xi32> -> vector<16xf32>
      %add3A_927 = arith.addf %mul3A_920, %gather3A_926 : vector<16xf32>
      %xor3A_928 = arith.constant 4 : i32
      %xor3A_929 = vector.broadcast %xor3A_928 : i32 to vector<16xi32>
      %xor3A_930 = arith.xori %iota3A, %xor3A_929 : vector<16xi32>
      %broadcast_in_dim3A_931 = vector.shape_cast %xor3A_930 : vector<16xi32> to vector<16x1xi32>
      %gather3A_932 = vector.shape_cast %broadcast_in_dim3A_931 : vector<16x1xi32> to vector<16xi32>
      %gather3A_933 = tpu.dynamic_gather %add3A_927[%gather3A_932] in [0] : vector<16xf32>, vector<16xi32> -> vector<16xf32>
      %add3A_934 = arith.addf %add3A_927, %gather3A_933 : vector<16xf32>
      %xor3A_935 = arith.constant 2 : i32
      %xor3A_936 = vector.broadcast %xor3A_935 : i32 to vector<16xi32>
      %xor3A_937 = arith.xori %iota3A, %xor3A_936 : vector<16xi32>
      %broadcast_in_dim3A_938 = vector.shape_cast %xor3A_937 : vector<16xi32> to vector<16x1xi32>
      %gather3A_939 = vector.shape_cast %broadcast_in_dim3A_938 : vector<16x1xi32> to vector<16xi32>
      %gather3A_940 = tpu.dynamic_gather %add3A_934[%gather3A_939] in [0] : vector<16xf32>, vector<16xi32> -> vector<16xf32>
      %add3A_941 = arith.addf %add3A_934, %gather3A_940 : vector<16xf32>
      %xor3A_942 = arith.constant 1 : i32
      %xor3A_943 = vector.broadcast %xor3A_942 : i32 to vector<16xi32>
      %xor3A_944 = arith.xori %iota3A, %xor3A_943 : vector<16xi32>
      %broadcast_in_dim3A_945 = vector.shape_cast %xor3A_944 : vector<16xi32> to vector<16x1xi32>
      %gather3A_946 = vector.shape_cast %broadcast_in_dim3A_945 : vector<16x1xi32> to vector<16xi32>
      %gather3A_947 = tpu.dynamic_gather %add3A_941[%gather3A_946] in [0] : vector<16xf32>, vector<16xi32> -> vector<16xf32>
      %add3A_948 = arith.addf %add3A_941, %gather3A_947 : vector<16xf32>
      %eq3A_949 = arith.constant 14 : i32
      %eq3A_950 = vector.broadcast %eq3A_949 : i32 to vector<16xi32>
      %eq3A_951 = arith.cmpi eq, %iota3A, %eq3A_950 : vector<16xi32>
      %select_n3A_952 = arith.select %eq3A_951, %add3A_948, %select_n3A_899 : vector<16xi1>, vector<16xf32>
      %slice3A_953 = vector.extract_strided_slice %and3A_154 {offsets = [15], sizes = [1], strides = [1]} : vector<16xi32> to vector<1xi32>
      %squeeze3A_954 = vector.extract %slice3A_953[0] : i32 from vector<1xi32>
      %slice3A_955 = vector.extract_strided_slice %and3A_162 {offsets = [15], sizes = [1], strides = [1]} : vector<16xi32> to vector<1xi32>
      %squeeze3A_956 = vector.extract %slice3A_955[0] : i32 from vector<1xi32>
      %add3A_957 = arith.constant 15 : i32
      %add3A_958 = arith.addi %mul3A_148, %add3A_957 : i32
      %mul3A_959 = arith.constant 16 : i32
      %mul3A_960 = arith.muli %squeeze3A_954, %mul3A_959 : i32
      %get3A_961 = arith.index_cast %add3A_958 : i32 to index
      %get3A_962 = arith.index_cast %mul3A_960 : i32 to index
      %get3A_963 = tpu.vector_load %arg10[%get3A_961, %get3A_962] {strides = array<i32>} : memref<256x128xf32, #tpu.memory_space<vmem>>, vector<1x16xf32>,
      %get3A_964 = vector.shape_cast %get3A_963 : vector<1x16xf32> to vector<16xf32>
      %add3A_965 = arith.constant 15 : i32
      %add3A_966 = arith.addi %mul3A_148, %add3A_965 : i32
      %mul3A_967 = arith.constant 16 : i32
      %mul3A_968 = arith.muli %squeeze3A_956, %mul3A_967 : i32
      %get3A_969 = arith.index_cast %add3A_966 : i32 to index
      %get3A_970 = arith.index_cast %mul3A_968 : i32 to index
      %get3A_971 = tpu.vector_load %arg11[%get3A_969, %get3A_970] {strides = array<i32>} : memref<256x128xf32, #tpu.memory_space<vmem>>, vector<1x16xf32>,
      %get3A_972 = vector.shape_cast %get3A_971 : vector<1x16xf32> to vector<16xf32>
      %mul3A_973 = arith.mulf %get3A_964, %get3A_972 : vector<16xf32>
      %xor3A_974 = arith.constant 8 : i32
      %xor3A_975 = vector.broadcast %xor3A_974 : i32 to vector<16xi32>
      %xor3A_976 = arith.xori %iota3A, %xor3A_975 : vector<16xi32>
      %broadcast_in_dim3A_977 = vector.shape_cast %xor3A_976 : vector<16xi32> to vector<16x1xi32>
      %gather3A_978 = vector.shape_cast %broadcast_in_dim3A_977 : vector<16x1xi32> to vector<16xi32>
      %gather3A_979 = tpu.dynamic_gather %mul3A_973[%gather3A_978] in [0] : vector<16xf32>, vector<16xi32> -> vector<16xf32>
      %add3A_980 = arith.addf %mul3A_973, %gather3A_979 : vector<16xf32>
      %xor3A_981 = arith.constant 4 : i32
      %xor3A_982 = vector.broadcast %xor3A_981 : i32 to vector<16xi32>
      %xor3A_983 = arith.xori %iota3A, %xor3A_982 : vector<16xi32>
      %broadcast_in_dim3A_984 = vector.shape_cast %xor3A_983 : vector<16xi32> to vector<16x1xi32>
      %gather3A_985 = vector.shape_cast %broadcast_in_dim3A_984 : vector<16x1xi32> to vector<16xi32>
      %gather3A_986 = tpu.dynamic_gather %add3A_980[%gather3A_985] in [0] : vector<16xf32>, vector<16xi32> -> vector<16xf32>
      %add3A_987 = arith.addf %add3A_980, %gather3A_986 : vector<16xf32>
      %xor3A_988 = arith.constant 2 : i32
      %xor3A_989 = vector.broadcast %xor3A_988 : i32 to vector<16xi32>
      %xor3A_990 = arith.xori %iota3A, %xor3A_989 : vector<16xi32>
      %broadcast_in_dim3A_991 = vector.shape_cast %xor3A_990 : vector<16xi32> to vector<16x1xi32>
      %gather3A_992 = vector.shape_cast %broadcast_in_dim3A_991 : vector<16x1xi32> to vector<16xi32>
      %gather3A_993 = tpu.dynamic_gather %add3A_987[%gather3A_992] in [0] : vector<16xf32>, vector<16xi32> -> vector<16xf32>
      %add3A_994 = arith.addf %add3A_987, %gather3A_993 : vector<16xf32>
      %xor3A_995 = arith.constant 1 : i32
      %xor3A_996 = vector.broadcast %xor3A_995 : i32 to vector<16xi32>
      %xor3A_997 = arith.xori %iota3A, %xor3A_996 : vector<16xi32>
      %broadcast_in_dim3A_998 = vector.shape_cast %xor3A_997 : vector<16xi32> to vector<16x1xi32>
      %gather3A_999 = vector.shape_cast %broadcast_in_dim3A_998 : vector<16x1xi32> to vector<16xi32>
      %gather3A_1000 = tpu.dynamic_gather %add3A_994[%gather3A_999] in [0] : vector<16xf32>, vector<16xi32> -> vector<16xf32>
      %add3A_1001 = arith.addf %add3A_994, %gather3A_1000 : vector<16xf32>
      %eq3A_1002 = arith.constant 15 : i32
      %eq3A_1003 = vector.broadcast %eq3A_1002 : i32 to vector<16xi32>
      %eq3A_1004 = arith.cmpi eq, %iota3A, %eq3A_1003 : vector<16xi32>
      %select_n3A_1005 = arith.select %eq3A_1004, %add3A_1001, %select_n3A_952 : vector<16xi1>, vector<16xf32>
      %neg3A = arith.constant 0.000000e+00 : f32
      %neg3A_1006 = vector.broadcast %neg3A : f32 to vector<16xf32>
      %neg3A_1007 = arith.subf %neg3A_1006, %select_n3A_1005 : vector<16xf32>
      %exp3A = math.exp %neg3A_1007 : vector<16xf32>
      %add3A_1008 = arith.constant 1.000000e+00 : f32
      %add3A_1009 = vector.broadcast %add3A_1008 : f32 to vector<16xf32>
      %add3A_1010 = arith.addf %add3A_1009, %exp3A : vector<16xf32>
      %div3A = arith.constant 1.000000e+00 : f32
      %div3A_1011 = vector.broadcast %div3A : f32 to vector<16xf32>
      %div3A_1012 = arith.divf %div3A_1011, %add3A_1010 : vector<16xf32>
      %add3A_1013 = arith.constant 0 : i32
      %add3A_1014 = arith.addi %add3A_1013, %mul3A_148 : i32
      %swap3A = arith.index_cast %add3A_1014 : i32 to index
      %swap3A_1015 = tpu.vector_load %arg12[%swap3A] {strides = array<i32>} : memref<512xf32, #tpu.memory_space<vmem>>, vector<16xf32>,
      %swap3A_1016 = vector.shape_cast %swap3A_1015 : vector<16xf32> to vector<16xf32>
      %swap3A_1017 = vector.shape_cast %div3A_1012 : vector<16xf32> to vector<16xf32>
      tpu.vector_store %arg12[%swap3A], %swap3A_1017 {strides = array<i32>} : memref<512xf32, #tpu.memory_space<vmem>>, vector<16xf32>,
    }
    %scan3A_75 = arith.constant 16 : i32
    %dma_start3A_76 = arith.constant 0 : i32
    %dma_start3A_77 = arith.constant 0 : i32
    %dma_start3A_78 = tpu.memref_slice %arg10[%dma_start3A_76, %dma_start3A_77] : memref<256x128xf32, #tpu.memory_space<vmem>> -> memref<128x128xf32, #tpu.memory_space<vmem>>
    %dma_start3A_79 = arith.constant 256 : i32
    %dma_start3A_80 = tpu.memref_slice %arg8[%dma_start3A_79] : memref<512xi32, #tpu.memory_space<vmem>> -> memref<128xi32, #tpu.memory_space<vmem>>
    %dma_start3A_81 = arith.constant 0 : i32
    %dma_start3A_82 = arith.constant 0 : i32
    %dma_start3A_83 = tpu.memref_slice %arg4[%dma_start3A_81, %dma_start3A_82] : memref<125000x128xf32, #tpu.memory_space<hbm>> -> memref<125000x128xf32, #tpu.memory_space<hbm>>
    tpu.enqueue_indirect_dma source(%dma_start3A_83 : memref<125000x128xf32, #tpu.memory_space<hbm>>) target(%dma_start3A_78 : memref<128x128xf32, #tpu.memory_space<vmem>>) offsets(%dma_start3A_80 : memref<128xi32, #tpu.memory_space<vmem>>) semaphore(%arg13 : memref<!tpu.dma_semaphore, #tpu.memory_space<semaphore_mem>>)
    %dma_start3A_84 = arith.constant 0 : i32
    %dma_start3A_85 = arith.constant 0 : i32
    %dma_start3A_86 = tpu.memref_slice %arg11[%dma_start3A_84, %dma_start3A_85] : memref<256x128xf32, #tpu.memory_space<vmem>> -> memref<128x128xf32, #tpu.memory_space<vmem>>
    %dma_start3A_87 = arith.constant 256 : i32
    %dma_start3A_88 = tpu.memref_slice %arg9[%dma_start3A_87] : memref<512xi32, #tpu.memory_space<vmem>> -> memref<128xi32, #tpu.memory_space<vmem>>
    %dma_start3A_89 = arith.constant 0 : i32
    %dma_start3A_90 = arith.constant 0 : i32
    %dma_start3A_91 = tpu.memref_slice %arg4[%dma_start3A_89, %dma_start3A_90] : memref<125000x128xf32, #tpu.memory_space<hbm>> -> memref<125000x128xf32, #tpu.memory_space<hbm>>
    tpu.enqueue_indirect_dma source(%dma_start3A_91 : memref<125000x128xf32, #tpu.memory_space<hbm>>) target(%dma_start3A_86 : memref<128x128xf32, #tpu.memory_space<vmem>>) offsets(%dma_start3A_88 : memref<128xi32, #tpu.memory_space<vmem>>) semaphore(%arg13 : memref<!tpu.dma_semaphore, #tpu.memory_space<semaphore_mem>>)
    %dma_start3A_92 = arith.constant 128 : i32
    %dma_start3A_93 = arith.constant 0 : i32
    %dma_start3A_94 = tpu.memref_slice %arg10[%dma_start3A_92, %dma_start3A_93] : memref<256x128xf32, #tpu.memory_space<vmem>> -> memref<128x128xf32, #tpu.memory_space<vmem>>
    %dma_start3A_95 = arith.constant 384 : i32
    %dma_start3A_96 = tpu.memref_slice %arg8[%dma_start3A_95] : memref<512xi32, #tpu.memory_space<vmem>> -> memref<128xi32, #tpu.memory_space<vmem>>
    %dma_start3A_97 = arith.constant 0 : i32
    %dma_start3A_98 = arith.constant 0 : i32
    %dma_start3A_99 = tpu.memref_slice %arg4[%dma_start3A_97, %dma_start3A_98] : memref<125000x128xf32, #tpu.memory_space<hbm>> -> memref<125000x128xf32, #tpu.memory_space<hbm>>
    tpu.enqueue_indirect_dma source(%dma_start3A_99 : memref<125000x128xf32, #tpu.memory_space<hbm>>) target(%dma_start3A_94 : memref<128x128xf32, #tpu.memory_space<vmem>>) offsets(%dma_start3A_96 : memref<128xi32, #tpu.memory_space<vmem>>) semaphore(%arg13 : memref<!tpu.dma_semaphore, #tpu.memory_space<semaphore_mem>>)
    %dma_start3A_100 = arith.constant 128 : i32
    %dma_start3A_101 = arith.constant 0 : i32
    %dma_start3A_102 = tpu.memref_slice %arg11[%dma_start3A_100, %dma_start3A_101] : memref<256x128xf32, #tpu.memory_space<vmem>> -> memref<128x128xf32, #tpu.memory_space<vmem>>
    %dma_start3A_103 = arith.constant 384 : i32
    %dma_start3A_104 = tpu.memref_slice %arg9[%dma_start3A_103] : memref<512xi32, #tpu.memory_space<vmem>> -> memref<128xi32, #tpu.memory_space<vmem>>
    %dma_start3A_105 = arith.constant 0 : i32
    %dma_start3A_106 = arith.constant 0 : i32
    %dma_start3A_107 = tpu.memref_slice %arg4[%dma_start3A_105, %dma_start3A_106] : memref<125000x128xf32, #tpu.memory_space<hbm>> -> memref<125000x128xf32, #tpu.memory_space<hbm>>
    tpu.enqueue_indirect_dma source(%dma_start3A_107 : memref<125000x128xf32, #tpu.memory_space<hbm>>) target(%dma_start3A_102 : memref<128x128xf32, #tpu.memory_space<vmem>>) offsets(%dma_start3A_104 : memref<128xi32, #tpu.memory_space<vmem>>) semaphore(%arg13 : memref<!tpu.dma_semaphore, #tpu.memory_space<semaphore_mem>>)
    %dma_wait3A_108 = arith.constant 0 : i32
    %dma_wait3A_109 = arith.constant 0 : i32
    %dma_wait3A_110 = tpu.memref_slice %arg10[%dma_wait3A_108, %dma_wait3A_109] : memref<256x128xf32, #tpu.memory_space<vmem>> -> memref<128x128xf32, #tpu.memory_space<vmem>>
    %dma_wait3A_111 = arith.constant 256 : i32
    %dma_wait3A_112 = tpu.memref_slice %arg8[%dma_wait3A_111] : memref<512xi32, #tpu.memory_space<vmem>> -> memref<128xi32, #tpu.memory_space<vmem>>
    %dma_wait3A_113 = arith.constant 0 : i32
    %dma_wait3A_114 = arith.constant 0 : i32
    %dma_wait3A_115 = tpu.memref_slice %arg4[%dma_wait3A_113, %dma_wait3A_114] : memref<125000x128xf32, #tpu.memory_space<hbm>> -> memref<125000x128xf32, #tpu.memory_space<hbm>>
    tpu.wait_indirect_dma semaphore(%arg13 : memref<!tpu.dma_semaphore, #tpu.memory_space<semaphore_mem>>) src(%dma_wait3A_115 : memref<125000x128xf32, #tpu.memory_space<hbm>>) dst(%dma_wait3A_110 : memref<128x128xf32, #tpu.memory_space<vmem>>)
    %dma_wait3A_116 = arith.constant 0 : i32
    %dma_wait3A_117 = arith.constant 0 : i32
    %dma_wait3A_118 = tpu.memref_slice %arg11[%dma_wait3A_116, %dma_wait3A_117] : memref<256x128xf32, #tpu.memory_space<vmem>> -> memref<128x128xf32, #tpu.memory_space<vmem>>
    %dma_wait3A_119 = arith.constant 256 : i32
    %dma_wait3A_120 = tpu.memref_slice %arg9[%dma_wait3A_119] : memref<512xi32, #tpu.memory_space<vmem>> -> memref<128xi32, #tpu.memory_space<vmem>>
    %dma_wait3A_121 = arith.constant 0 : i32
    %dma_wait3A_122 = arith.constant 0 : i32
    %dma_wait3A_123 = tpu.memref_slice %arg4[%dma_wait3A_121, %dma_wait3A_122] : memref<125000x128xf32, #tpu.memory_space<hbm>> -> memref<125000x128xf32, #tpu.memory_space<hbm>>
    tpu.wait_indirect_dma semaphore(%arg13 : memref<!tpu.dma_semaphore, #tpu.memory_space<semaphore_mem>>) src(%dma_wait3A_123 : memref<125000x128xf32, #tpu.memory_space<hbm>>) dst(%dma_wait3A_118 : memref<128x128xf32, #tpu.memory_space<vmem>>)
    %dma_wait3A_124 = arith.constant 128 : i32
    %dma_wait3A_125 = arith.constant 0 : i32
    %dma_wait3A_126 = tpu.memref_slice %arg10[%dma_wait3A_124, %dma_wait3A_125] : memref<256x128xf32, #tpu.memory_space<vmem>> -> memref<128x128xf32, #tpu.memory_space<vmem>>
    %dma_wait3A_127 = arith.constant 384 : i32
    %dma_wait3A_128 = tpu.memref_slice %arg8[%dma_wait3A_127] : memref<512xi32, #tpu.memory_space<vmem>> -> memref<128xi32, #tpu.memory_space<vmem>>
    %dma_wait3A_129 = arith.constant 0 : i32
    %dma_wait3A_130 = arith.constant 0 : i32
    %dma_wait3A_131 = tpu.memref_slice %arg4[%dma_wait3A_129, %dma_wait3A_130] : memref<125000x128xf32, #tpu.memory_space<hbm>> -> memref<125000x128xf32, #tpu.memory_space<hbm>>
    tpu.wait_indirect_dma semaphore(%arg13 : memref<!tpu.dma_semaphore, #tpu.memory_space<semaphore_mem>>) src(%dma_wait3A_131 : memref<125000x128xf32, #tpu.memory_space<hbm>>) dst(%dma_wait3A_126 : memref<128x128xf32, #tpu.memory_space<vmem>>)
    %dma_wait3A_132 = arith.constant 128 : i32
    %dma_wait3A_133 = arith.constant 0 : i32
    %dma_wait3A_134 = tpu.memref_slice %arg11[%dma_wait3A_132, %dma_wait3A_133] : memref<256x128xf32, #tpu.memory_space<vmem>> -> memref<128x128xf32, #tpu.memory_space<vmem>>
    %dma_wait3A_135 = arith.constant 384 : i32
    %dma_wait3A_136 = tpu.memref_slice %arg9[%dma_wait3A_135] : memref<512xi32, #tpu.memory_space<vmem>> -> memref<128xi32, #tpu.memory_space<vmem>>
    %dma_wait3A_137 = arith.constant 0 : i32
    %dma_wait3A_138 = arith.constant 0 : i32
    %dma_wait3A_139 = tpu.memref_slice %arg4[%dma_wait3A_137, %dma_wait3A_138] : memref<125000x128xf32, #tpu.memory_space<hbm>> -> memref<125000x128xf32, #tpu.memory_space<hbm>>
    tpu.wait_indirect_dma semaphore(%arg13 : memref<!tpu.dma_semaphore, #tpu.memory_space<semaphore_mem>>) src(%dma_wait3A_139 : memref<125000x128xf32, #tpu.memory_space<hbm>>) dst(%dma_wait3A_134 : memref<128x128xf32, #tpu.memory_space<vmem>>)
    %scan3A_140 = arith.constant 0 : i32
    %scan3A_141 = arith.constant 0 : i32
    %scan3A_142 = arith.constant 16 : i32
    %scan3A_143 = arith.addi %scan3A_141, %scan3A_142 : i32
    %scan3A_144 = arith.constant 1 : i32
    scf.for %scan3A_146 = %scan3A_141 to %scan3A_143 step %scan3A_144  : i32 {
      %mul3A_147 = arith.constant 16 : i32
      %mul3A_148 = arith.muli %scan3A_146, %mul3A_147 : i32
      %add3A_149 = arith.constant 256 : i32
      %add3A_150 = arith.addi %add3A_149, %mul3A_148 : i32
      %get3A = arith.index_cast %add3A_150 : i32 to index
      %get3A_151 = tpu.vector_load %arg6[%get3A] {strides = array<i32>} : memref<512xi32, #tpu.memory_space<vmem>>, vector<16xi32>,
      %get3A_152 = vector.shape_cast %get3A_151 : vector<16xi32> to vector<16xi32>
      %and3A = arith.constant 7 : i32
      %and3A_153 = vector.broadcast %and3A : i32 to vector<16xi32>
      %and3A_154 = arith.andi %get3A_152, %and3A_153 : vector<16xi32>
      %add3A_155 = arith.constant 256 : i32
      %add3A_156 = arith.addi %add3A_155, %mul3A_148 : i32
      %get3A_157 = arith.index_cast %add3A_156 : i32 to index
      %get3A_158 = tpu.vector_load %arg7[%get3A_157] {strides = array<i32>} : memref<512xi32, #tpu.memory_space<vmem>>, vector<16xi32>,
      %get3A_159 = vector.shape_cast %get3A_158 : vector<16xi32> to vector<16xi32>
      %and3A_160 = arith.constant 7 : i32
      %and3A_161 = vector.broadcast %and3A_160 : i32 to vector<16xi32>
      %and3A_162 = arith.andi %get3A_159, %and3A_161 : vector<16xi32>
      %broadcast_in_dim3A = arith.constant 0.000000e+00 : f32
      %broadcast_in_dim3A_163 = vector.broadcast %broadcast_in_dim3A : f32 to vector<16xf32>
      %slice3A = vector.extract_strided_slice %and3A_154 {offsets = [0], sizes = [1], strides = [1]} : vector<16xi32> to vector<1xi32>
      %squeeze3A = vector.extract %slice3A[0] : i32 from vector<1xi32>
      %slice3A_164 = vector.extract_strided_slice %and3A_162 {offsets = [0], sizes = [1], strides = [1]} : vector<16xi32> to vector<1xi32>
      %squeeze3A_165 = vector.extract %slice3A_164[0] : i32 from vector<1xi32>
      %add3A_166 = arith.constant 0 : i32
      %add3A_167 = arith.addi %mul3A_148, %add3A_166 : i32
      %mul3A_168 = arith.constant 16 : i32
      %mul3A_169 = arith.muli %squeeze3A, %mul3A_168 : i32
      %get3A_170 = arith.index_cast %add3A_167 : i32 to index
      %get3A_171 = arith.index_cast %mul3A_169 : i32 to index
      %get3A_172 = tpu.vector_load %arg10[%get3A_170, %get3A_171] {strides = array<i32>} : memref<256x128xf32, #tpu.memory_space<vmem>>, vector<1x16xf32>,
      %get3A_173 = vector.shape_cast %get3A_172 : vector<1x16xf32> to vector<16xf32>
      %add3A_174 = arith.constant 0 : i32
      %add3A_175 = arith.addi %mul3A_148, %add3A_174 : i32
      %mul3A_176 = arith.constant 16 : i32
      %mul3A_177 = arith.muli %squeeze3A_165, %mul3A_176 : i32
      %get3A_178 = arith.index_cast %add3A_175 : i32 to index
      %get3A_179 = arith.index_cast %mul3A_177 : i32 to index
      %get3A_180 = tpu.vector_load %arg11[%get3A_178, %get3A_179] {strides = array<i32>} : memref<256x128xf32, #tpu.memory_space<vmem>>, vector<1x16xf32>,
      %get3A_181 = vector.shape_cast %get3A_180 : vector<1x16xf32> to vector<16xf32>
      %mul3A_182 = arith.mulf %get3A_173, %get3A_181 : vector<16xf32>
      %xor3A = arith.constant 8 : i32
      %xor3A_183 = vector.broadcast %xor3A : i32 to vector<16xi32>
      %xor3A_184 = arith.xori %iota3A, %xor3A_183 : vector<16xi32>
      %broadcast_in_dim3A_185 = vector.shape_cast %xor3A_184 : vector<16xi32> to vector<16x1xi32>
      %gather3A = vector.shape_cast %broadcast_in_dim3A_185 : vector<16x1xi32> to vector<16xi32>
      %gather3A_186 = tpu.dynamic_gather %mul3A_182[%gather3A] in [0] : vector<16xf32>, vector<16xi32> -> vector<16xf32>
      %add3A_187 = arith.addf %mul3A_182, %gather3A_186 : vector<16xf32>
      %xor3A_188 = arith.constant 4 : i32
      %xor3A_189 = vector.broadcast %xor3A_188 : i32 to vector<16xi32>
      %xor3A_190 = arith.xori %iota3A, %xor3A_189 : vector<16xi32>
      %broadcast_in_dim3A_191 = vector.shape_cast %xor3A_190 : vector<16xi32> to vector<16x1xi32>
      %gather3A_192 = vector.shape_cast %broadcast_in_dim3A_191 : vector<16x1xi32> to vector<16xi32>
      %gather3A_193 = tpu.dynamic_gather %add3A_187[%gather3A_192] in [0] : vector<16xf32>, vector<16xi32> -> vector<16xf32>
      %add3A_194 = arith.addf %add3A_187, %gather3A_193 : vector<16xf32>
      %xor3A_195 = arith.constant 2 : i32
      %xor3A_196 = vector.broadcast %xor3A_195 : i32 to vector<16xi32>
      %xor3A_197 = arith.xori %iota3A, %xor3A_196 : vector<16xi32>
      %broadcast_in_dim3A_198 = vector.shape_cast %xor3A_197 : vector<16xi32> to vector<16x1xi32>
      %gather3A_199 = vector.shape_cast %broadcast_in_dim3A_198 : vector<16x1xi32> to vector<16xi32>
      %gather3A_200 = tpu.dynamic_gather %add3A_194[%gather3A_199] in [0] : vector<16xf32>, vector<16xi32> -> vector<16xf32>
      %add3A_201 = arith.addf %add3A_194, %gather3A_200 : vector<16xf32>
      %xor3A_202 = arith.constant 1 : i32
      %xor3A_203 = vector.broadcast %xor3A_202 : i32 to vector<16xi32>
      %xor3A_204 = arith.xori %iota3A, %xor3A_203 : vector<16xi32>
      %broadcast_in_dim3A_205 = vector.shape_cast %xor3A_204 : vector<16xi32> to vector<16x1xi32>
      %gather3A_206 = vector.shape_cast %broadcast_in_dim3A_205 : vector<16x1xi32> to vector<16xi32>
      %gather3A_207 = tpu.dynamic_gather %add3A_201[%gather3A_206] in [0] : vector<16xf32>, vector<16xi32> -> vector<16xf32>
      %add3A_208 = arith.addf %add3A_201, %gather3A_207 : vector<16xf32>
      %eq3A = arith.constant 0 : i32
      %eq3A_209 = vector.broadcast %eq3A : i32 to vector<16xi32>
      %eq3A_210 = arith.cmpi eq, %iota3A, %eq3A_209 : vector<16xi32>
      %select_n3A = arith.select %eq3A_210, %add3A_208, %broadcast_in_dim3A_163 : vector<16xi1>, vector<16xf32>
      %slice3A_211 = vector.extract_strided_slice %and3A_154 {offsets = [1], sizes = [1], strides = [1]} : vector<16xi32> to vector<1xi32>
      %squeeze3A_212 = vector.extract %slice3A_211[0] : i32 from vector<1xi32>
      %slice3A_213 = vector.extract_strided_slice %and3A_162 {offsets = [1], sizes = [1], strides = [1]} : vector<16xi32> to vector<1xi32>
      %squeeze3A_214 = vector.extract %slice3A_213[0] : i32 from vector<1xi32>
      %add3A_215 = arith.constant 1 : i32
      %add3A_216 = arith.addi %mul3A_148, %add3A_215 : i32
      %mul3A_217 = arith.constant 16 : i32
      %mul3A_218 = arith.muli %squeeze3A_212, %mul3A_217 : i32
      %get3A_219 = arith.index_cast %add3A_216 : i32 to index
      %get3A_220 = arith.index_cast %mul3A_218 : i32 to index
      %get3A_221 = tpu.vector_load %arg10[%get3A_219, %get3A_220] {strides = array<i32>} : memref<256x128xf32, #tpu.memory_space<vmem>>, vector<1x16xf32>,
      %get3A_222 = vector.shape_cast %get3A_221 : vector<1x16xf32> to vector<16xf32>
      %add3A_223 = arith.constant 1 : i32
      %add3A_224 = arith.addi %mul3A_148, %add3A_223 : i32
      %mul3A_225 = arith.constant 16 : i32
      %mul3A_226 = arith.muli %squeeze3A_214, %mul3A_225 : i32
      %get3A_227 = arith.index_cast %add3A_224 : i32 to index
      %get3A_228 = arith.index_cast %mul3A_226 : i32 to index
      %get3A_229 = tpu.vector_load %arg11[%get3A_227, %get3A_228] {strides = array<i32>} : memref<256x128xf32, #tpu.memory_space<vmem>>, vector<1x16xf32>,
      %get3A_230 = vector.shape_cast %get3A_229 : vector<1x16xf32> to vector<16xf32>
      %mul3A_231 = arith.mulf %get3A_222, %get3A_230 : vector<16xf32>
      %xor3A_232 = arith.constant 8 : i32
      %xor3A_233 = vector.broadcast %xor3A_232 : i32 to vector<16xi32>
      %xor3A_234 = arith.xori %iota3A, %xor3A_233 : vector<16xi32>
      %broadcast_in_dim3A_235 = vector.shape_cast %xor3A_234 : vector<16xi32> to vector<16x1xi32>
      %gather3A_236 = vector.shape_cast %broadcast_in_dim3A_235 : vector<16x1xi32> to vector<16xi32>
      %gather3A_237 = tpu.dynamic_gather %mul3A_231[%gather3A_236] in [0] : vector<16xf32>, vector<16xi32> -> vector<16xf32>
      %add3A_238 = arith.addf %mul3A_231, %gather3A_237 : vector<16xf32>
      %xor3A_239 = arith.constant 4 : i32
      %xor3A_240 = vector.broadcast %xor3A_239 : i32 to vector<16xi32>
      %xor3A_241 = arith.xori %iota3A, %xor3A_240 : vector<16xi32>
      %broadcast_in_dim3A_242 = vector.shape_cast %xor3A_241 : vector<16xi32> to vector<16x1xi32>
      %gather3A_243 = vector.shape_cast %broadcast_in_dim3A_242 : vector<16x1xi32> to vector<16xi32>
      %gather3A_244 = tpu.dynamic_gather %add3A_238[%gather3A_243] in [0] : vector<16xf32>, vector<16xi32> -> vector<16xf32>
      %add3A_245 = arith.addf %add3A_238, %gather3A_244 : vector<16xf32>
      %xor3A_246 = arith.constant 2 : i32
      %xor3A_247 = vector.broadcast %xor3A_246 : i32 to vector<16xi32>
      %xor3A_248 = arith.xori %iota3A, %xor3A_247 : vector<16xi32>
      %broadcast_in_dim3A_249 = vector.shape_cast %xor3A_248 : vector<16xi32> to vector<16x1xi32>
      %gather3A_250 = vector.shape_cast %broadcast_in_dim3A_249 : vector<16x1xi32> to vector<16xi32>
      %gather3A_251 = tpu.dynamic_gather %add3A_245[%gather3A_250] in [0] : vector<16xf32>, vector<16xi32> -> vector<16xf32>
      %add3A_252 = arith.addf %add3A_245, %gather3A_251 : vector<16xf32>
      %xor3A_253 = arith.constant 1 : i32
      %xor3A_254 = vector.broadcast %xor3A_253 : i32 to vector<16xi32>
      %xor3A_255 = arith.xori %iota3A, %xor3A_254 : vector<16xi32>
      %broadcast_in_dim3A_256 = vector.shape_cast %xor3A_255 : vector<16xi32> to vector<16x1xi32>
      %gather3A_257 = vector.shape_cast %broadcast_in_dim3A_256 : vector<16x1xi32> to vector<16xi32>
      %gather3A_258 = tpu.dynamic_gather %add3A_252[%gather3A_257] in [0] : vector<16xf32>, vector<16xi32> -> vector<16xf32>
      %add3A_259 = arith.addf %add3A_252, %gather3A_258 : vector<16xf32>
      %eq3A_260 = arith.constant 1 : i32
      %eq3A_261 = vector.broadcast %eq3A_260 : i32 to vector<16xi32>
      %eq3A_262 = arith.cmpi eq, %iota3A, %eq3A_261 : vector<16xi32>
      %select_n3A_263 = arith.select %eq3A_262, %add3A_259, %select_n3A : vector<16xi1>, vector<16xf32>
      %slice3A_264 = vector.extract_strided_slice %and3A_154 {offsets = [2], sizes = [1], strides = [1]} : vector<16xi32> to vector<1xi32>
      %squeeze3A_265 = vector.extract %slice3A_264[0] : i32 from vector<1xi32>
      %slice3A_266 = vector.extract_strided_slice %and3A_162 {offsets = [2], sizes = [1], strides = [1]} : vector<16xi32> to vector<1xi32>
      %squeeze3A_267 = vector.extract %slice3A_266[0] : i32 from vector<1xi32>
      %add3A_268 = arith.constant 2 : i32
      %add3A_269 = arith.addi %mul3A_148, %add3A_268 : i32
      %mul3A_270 = arith.constant 16 : i32
      %mul3A_271 = arith.muli %squeeze3A_265, %mul3A_270 : i32
      %get3A_272 = arith.index_cast %add3A_269 : i32 to index
      %get3A_273 = arith.index_cast %mul3A_271 : i32 to index
      %get3A_274 = tpu.vector_load %arg10[%get3A_272, %get3A_273] {strides = array<i32>} : memref<256x128xf32, #tpu.memory_space<vmem>>, vector<1x16xf32>,
      %get3A_275 = vector.shape_cast %get3A_274 : vector<1x16xf32> to vector<16xf32>
      %add3A_276 = arith.constant 2 : i32
      %add3A_277 = arith.addi %mul3A_148, %add3A_276 : i32
      %mul3A_278 = arith.constant 16 : i32
      %mul3A_279 = arith.muli %squeeze3A_267, %mul3A_278 : i32
      %get3A_280 = arith.index_cast %add3A_277 : i32 to index
      %get3A_281 = arith.index_cast %mul3A_279 : i32 to index
      %get3A_282 = tpu.vector_load %arg11[%get3A_280, %get3A_281] {strides = array<i32>} : memref<256x128xf32, #tpu.memory_space<vmem>>, vector<1x16xf32>,
      %get3A_283 = vector.shape_cast %get3A_282 : vector<1x16xf32> to vector<16xf32>
      %mul3A_284 = arith.mulf %get3A_275, %get3A_283 : vector<16xf32>
      %xor3A_285 = arith.constant 8 : i32
      %xor3A_286 = vector.broadcast %xor3A_285 : i32 to vector<16xi32>
      %xor3A_287 = arith.xori %iota3A, %xor3A_286 : vector<16xi32>
      %broadcast_in_dim3A_288 = vector.shape_cast %xor3A_287 : vector<16xi32> to vector<16x1xi32>
      %gather3A_289 = vector.shape_cast %broadcast_in_dim3A_288 : vector<16x1xi32> to vector<16xi32>
      %gather3A_290 = tpu.dynamic_gather %mul3A_284[%gather3A_289] in [0] : vector<16xf32>, vector<16xi32> -> vector<16xf32>
      %add3A_291 = arith.addf %mul3A_284, %gather3A_290 : vector<16xf32>
      %xor3A_292 = arith.constant 4 : i32
      %xor3A_293 = vector.broadcast %xor3A_292 : i32 to vector<16xi32>
      %xor3A_294 = arith.xori %iota3A, %xor3A_293 : vector<16xi32>
      %broadcast_in_dim3A_295 = vector.shape_cast %xor3A_294 : vector<16xi32> to vector<16x1xi32>
      %gather3A_296 = vector.shape_cast %broadcast_in_dim3A_295 : vector<16x1xi32> to vector<16xi32>
      %gather3A_297 = tpu.dynamic_gather %add3A_291[%gather3A_296] in [0] : vector<16xf32>, vector<16xi32> -> vector<16xf32>
      %add3A_298 = arith.addf %add3A_291, %gather3A_297 : vector<16xf32>
      %xor3A_299 = arith.constant 2 : i32
      %xor3A_300 = vector.broadcast %xor3A_299 : i32 to vector<16xi32>
      %xor3A_301 = arith.xori %iota3A, %xor3A_300 : vector<16xi32>
      %broadcast_in_dim3A_302 = vector.shape_cast %xor3A_301 : vector<16xi32> to vector<16x1xi32>
      %gather3A_303 = vector.shape_cast %broadcast_in_dim3A_302 : vector<16x1xi32> to vector<16xi32>
      %gather3A_304 = tpu.dynamic_gather %add3A_298[%gather3A_303] in [0] : vector<16xf32>, vector<16xi32> -> vector<16xf32>
      %add3A_305 = arith.addf %add3A_298, %gather3A_304 : vector<16xf32>
      %xor3A_306 = arith.constant 1 : i32
      %xor3A_307 = vector.broadcast %xor3A_306 : i32 to vector<16xi32>
      %xor3A_308 = arith.xori %iota3A, %xor3A_307 : vector<16xi32>
      %broadcast_in_dim3A_309 = vector.shape_cast %xor3A_308 : vector<16xi32> to vector<16x1xi32>
      %gather3A_310 = vector.shape_cast %broadcast_in_dim3A_309 : vector<16x1xi32> to vector<16xi32>
      %gather3A_311 = tpu.dynamic_gather %add3A_305[%gather3A_310] in [0] : vector<16xf32>, vector<16xi32> -> vector<16xf32>
      %add3A_312 = arith.addf %add3A_305, %gather3A_311 : vector<16xf32>
      %eq3A_313 = arith.constant 2 : i32
      %eq3A_314 = vector.broadcast %eq3A_313 : i32 to vector<16xi32>
      %eq3A_315 = arith.cmpi eq, %iota3A, %eq3A_314 : vector<16xi32>
      %select_n3A_316 = arith.select %eq3A_315, %add3A_312, %select_n3A_263 : vector<16xi1>, vector<16xf32>
      %slice3A_317 = vector.extract_strided_slice %and3A_154 {offsets = [3], sizes = [1], strides = [1]} : vector<16xi32> to vector<1xi32>
      %squeeze3A_318 = vector.extract %slice3A_317[0] : i32 from vector<1xi32>
      %slice3A_319 = vector.extract_strided_slice %and3A_162 {offsets = [3], sizes = [1], strides = [1]} : vector<16xi32> to vector<1xi32>
      %squeeze3A_320 = vector.extract %slice3A_319[0] : i32 from vector<1xi32>
      %add3A_321 = arith.constant 3 : i32
      %add3A_322 = arith.addi %mul3A_148, %add3A_321 : i32
      %mul3A_323 = arith.constant 16 : i32
      %mul3A_324 = arith.muli %squeeze3A_318, %mul3A_323 : i32
      %get3A_325 = arith.index_cast %add3A_322 : i32 to index
      %get3A_326 = arith.index_cast %mul3A_324 : i32 to index
      %get3A_327 = tpu.vector_load %arg10[%get3A_325, %get3A_326] {strides = array<i32>} : memref<256x128xf32, #tpu.memory_space<vmem>>, vector<1x16xf32>,
      %get3A_328 = vector.shape_cast %get3A_327 : vector<1x16xf32> to vector<16xf32>
      %add3A_329 = arith.constant 3 : i32
      %add3A_330 = arith.addi %mul3A_148, %add3A_329 : i32
      %mul3A_331 = arith.constant 16 : i32
      %mul3A_332 = arith.muli %squeeze3A_320, %mul3A_331 : i32
      %get3A_333 = arith.index_cast %add3A_330 : i32 to index
      %get3A_334 = arith.index_cast %mul3A_332 : i32 to index
      %get3A_335 = tpu.vector_load %arg11[%get3A_333, %get3A_334] {strides = array<i32>} : memref<256x128xf32, #tpu.memory_space<vmem>>, vector<1x16xf32>,
      %get3A_336 = vector.shape_cast %get3A_335 : vector<1x16xf32> to vector<16xf32>
      %mul3A_337 = arith.mulf %get3A_328, %get3A_336 : vector<16xf32>
      %xor3A_338 = arith.constant 8 : i32
      %xor3A_339 = vector.broadcast %xor3A_338 : i32 to vector<16xi32>
      %xor3A_340 = arith.xori %iota3A, %xor3A_339 : vector<16xi32>
      %broadcast_in_dim3A_341 = vector.shape_cast %xor3A_340 : vector<16xi32> to vector<16x1xi32>
      %gather3A_342 = vector.shape_cast %broadcast_in_dim3A_341 : vector<16x1xi32> to vector<16xi32>
      %gather3A_343 = tpu.dynamic_gather %mul3A_337[%gather3A_342] in [0] : vector<16xf32>, vector<16xi32> -> vector<16xf32>
      %add3A_344 = arith.addf %mul3A_337, %gather3A_343 : vector<16xf32>
      %xor3A_345 = arith.constant 4 : i32
      %xor3A_346 = vector.broadcast %xor3A_345 : i32 to vector<16xi32>
      %xor3A_347 = arith.xori %iota3A, %xor3A_346 : vector<16xi32>
      %broadcast_in_dim3A_348 = vector.shape_cast %xor3A_347 : vector<16xi32> to vector<16x1xi32>
      %gather3A_349 = vector.shape_cast %broadcast_in_dim3A_348 : vector<16x1xi32> to vector<16xi32>
      %gather3A_350 = tpu.dynamic_gather %add3A_344[%gather3A_349] in [0] : vector<16xf32>, vector<16xi32> -> vector<16xf32>
      %add3A_351 = arith.addf %add3A_344, %gather3A_350 : vector<16xf32>
      %xor3A_352 = arith.constant 2 : i32
      %xor3A_353 = vector.broadcast %xor3A_352 : i32 to vector<16xi32>
      %xor3A_354 = arith.xori %iota3A, %xor3A_353 : vector<16xi32>
      %broadcast_in_dim3A_355 = vector.shape_cast %xor3A_354 : vector<16xi32> to vector<16x1xi32>
      %gather3A_356 = vector.shape_cast %broadcast_in_dim3A_355 : vector<16x1xi32> to vector<16xi32>
      %gather3A_357 = tpu.dynamic_gather %add3A_351[%gather3A_356] in [0] : vector<16xf32>, vector<16xi32> -> vector<16xf32>
      %add3A_358 = arith.addf %add3A_351, %gather3A_357 : vector<16xf32>
      %xor3A_359 = arith.constant 1 : i32
      %xor3A_360 = vector.broadcast %xor3A_359 : i32 to vector<16xi32>
      %xor3A_361 = arith.xori %iota3A, %xor3A_360 : vector<16xi32>
      %broadcast_in_dim3A_362 = vector.shape_cast %xor3A_361 : vector<16xi32> to vector<16x1xi32>
      %gather3A_363 = vector.shape_cast %broadcast_in_dim3A_362 : vector<16x1xi32> to vector<16xi32>
      %gather3A_364 = tpu.dynamic_gather %add3A_358[%gather3A_363] in [0] : vector<16xf32>, vector<16xi32> -> vector<16xf32>
      %add3A_365 = arith.addf %add3A_358, %gather3A_364 : vector<16xf32>
      %eq3A_366 = arith.constant 3 : i32
      %eq3A_367 = vector.broadcast %eq3A_366 : i32 to vector<16xi32>
      %eq3A_368 = arith.cmpi eq, %iota3A, %eq3A_367 : vector<16xi32>
      %select_n3A_369 = arith.select %eq3A_368, %add3A_365, %select_n3A_316 : vector<16xi1>, vector<16xf32>
      %slice3A_370 = vector.extract_strided_slice %and3A_154 {offsets = [4], sizes = [1], strides = [1]} : vector<16xi32> to vector<1xi32>
      %squeeze3A_371 = vector.extract %slice3A_370[0] : i32 from vector<1xi32>
      %slice3A_372 = vector.extract_strided_slice %and3A_162 {offsets = [4], sizes = [1], strides = [1]} : vector<16xi32> to vector<1xi32>
      %squeeze3A_373 = vector.extract %slice3A_372[0] : i32 from vector<1xi32>
      %add3A_374 = arith.constant 4 : i32
      %add3A_375 = arith.addi %mul3A_148, %add3A_374 : i32
      %mul3A_376 = arith.constant 16 : i32
      %mul3A_377 = arith.muli %squeeze3A_371, %mul3A_376 : i32
      %get3A_378 = arith.index_cast %add3A_375 : i32 to index
      %get3A_379 = arith.index_cast %mul3A_377 : i32 to index
      %get3A_380 = tpu.vector_load %arg10[%get3A_378, %get3A_379] {strides = array<i32>} : memref<256x128xf32, #tpu.memory_space<vmem>>, vector<1x16xf32>,
      %get3A_381 = vector.shape_cast %get3A_380 : vector<1x16xf32> to vector<16xf32>
      %add3A_382 = arith.constant 4 : i32
      %add3A_383 = arith.addi %mul3A_148, %add3A_382 : i32
      %mul3A_384 = arith.constant 16 : i32
      %mul3A_385 = arith.muli %squeeze3A_373, %mul3A_384 : i32
      %get3A_386 = arith.index_cast %add3A_383 : i32 to index
      %get3A_387 = arith.index_cast %mul3A_385 : i32 to index
      %get3A_388 = tpu.vector_load %arg11[%get3A_386, %get3A_387] {strides = array<i32>} : memref<256x128xf32, #tpu.memory_space<vmem>>, vector<1x16xf32>,
      %get3A_389 = vector.shape_cast %get3A_388 : vector<1x16xf32> to vector<16xf32>
      %mul3A_390 = arith.mulf %get3A_381, %get3A_389 : vector<16xf32>
      %xor3A_391 = arith.constant 8 : i32
      %xor3A_392 = vector.broadcast %xor3A_391 : i32 to vector<16xi32>
      %xor3A_393 = arith.xori %iota3A, %xor3A_392 : vector<16xi32>
      %broadcast_in_dim3A_394 = vector.shape_cast %xor3A_393 : vector<16xi32> to vector<16x1xi32>
      %gather3A_395 = vector.shape_cast %broadcast_in_dim3A_394 : vector<16x1xi32> to vector<16xi32>
      %gather3A_396 = tpu.dynamic_gather %mul3A_390[%gather3A_395] in [0] : vector<16xf32>, vector<16xi32> -> vector<16xf32>
      %add3A_397 = arith.addf %mul3A_390, %gather3A_396 : vector<16xf32>
      %xor3A_398 = arith.constant 4 : i32
      %xor3A_399 = vector.broadcast %xor3A_398 : i32 to vector<16xi32>
      %xor3A_400 = arith.xori %iota3A, %xor3A_399 : vector<16xi32>
      %broadcast_in_dim3A_401 = vector.shape_cast %xor3A_400 : vector<16xi32> to vector<16x1xi32>
      %gather3A_402 = vector.shape_cast %broadcast_in_dim3A_401 : vector<16x1xi32> to vector<16xi32>
      %gather3A_403 = tpu.dynamic_gather %add3A_397[%gather3A_402] in [0] : vector<16xf32>, vector<16xi32> -> vector<16xf32>
      %add3A_404 = arith.addf %add3A_397, %gather3A_403 : vector<16xf32>
      %xor3A_405 = arith.constant 2 : i32
      %xor3A_406 = vector.broadcast %xor3A_405 : i32 to vector<16xi32>
      %xor3A_407 = arith.xori %iota3A, %xor3A_406 : vector<16xi32>
      %broadcast_in_dim3A_408 = vector.shape_cast %xor3A_407 : vector<16xi32> to vector<16x1xi32>
      %gather3A_409 = vector.shape_cast %broadcast_in_dim3A_408 : vector<16x1xi32> to vector<16xi32>
      %gather3A_410 = tpu.dynamic_gather %add3A_404[%gather3A_409] in [0] : vector<16xf32>, vector<16xi32> -> vector<16xf32>
      %add3A_411 = arith.addf %add3A_404, %gather3A_410 : vector<16xf32>
      %xor3A_412 = arith.constant 1 : i32
      %xor3A_413 = vector.broadcast %xor3A_412 : i32 to vector<16xi32>
      %xor3A_414 = arith.xori %iota3A, %xor3A_413 : vector<16xi32>
      %broadcast_in_dim3A_415 = vector.shape_cast %xor3A_414 : vector<16xi32> to vector<16x1xi32>
      %gather3A_416 = vector.shape_cast %broadcast_in_dim3A_415 : vector<16x1xi32> to vector<16xi32>
      %gather3A_417 = tpu.dynamic_gather %add3A_411[%gather3A_416] in [0] : vector<16xf32>, vector<16xi32> -> vector<16xf32>
      %add3A_418 = arith.addf %add3A_411, %gather3A_417 : vector<16xf32>
      %eq3A_419 = arith.constant 4 : i32
      %eq3A_420 = vector.broadcast %eq3A_419 : i32 to vector<16xi32>
      %eq3A_421 = arith.cmpi eq, %iota3A, %eq3A_420 : vector<16xi32>
      %select_n3A_422 = arith.select %eq3A_421, %add3A_418, %select_n3A_369 : vector<16xi1>, vector<16xf32>
      %slice3A_423 = vector.extract_strided_slice %and3A_154 {offsets = [5], sizes = [1], strides = [1]} : vector<16xi32> to vector<1xi32>
      %squeeze3A_424 = vector.extract %slice3A_423[0] : i32 from vector<1xi32>
      %slice3A_425 = vector.extract_strided_slice %and3A_162 {offsets = [5], sizes = [1], strides = [1]} : vector<16xi32> to vector<1xi32>
      %squeeze3A_426 = vector.extract %slice3A_425[0] : i32 from vector<1xi32>
      %add3A_427 = arith.constant 5 : i32
      %add3A_428 = arith.addi %mul3A_148, %add3A_427 : i32
      %mul3A_429 = arith.constant 16 : i32
      %mul3A_430 = arith.muli %squeeze3A_424, %mul3A_429 : i32
      %get3A_431 = arith.index_cast %add3A_428 : i32 to index
      %get3A_432 = arith.index_cast %mul3A_430 : i32 to index
      %get3A_433 = tpu.vector_load %arg10[%get3A_431, %get3A_432] {strides = array<i32>} : memref<256x128xf32, #tpu.memory_space<vmem>>, vector<1x16xf32>,
      %get3A_434 = vector.shape_cast %get3A_433 : vector<1x16xf32> to vector<16xf32>
      %add3A_435 = arith.constant 5 : i32
      %add3A_436 = arith.addi %mul3A_148, %add3A_435 : i32
      %mul3A_437 = arith.constant 16 : i32
      %mul3A_438 = arith.muli %squeeze3A_426, %mul3A_437 : i32
      %get3A_439 = arith.index_cast %add3A_436 : i32 to index
      %get3A_440 = arith.index_cast %mul3A_438 : i32 to index
      %get3A_441 = tpu.vector_load %arg11[%get3A_439, %get3A_440] {strides = array<i32>} : memref<256x128xf32, #tpu.memory_space<vmem>>, vector<1x16xf32>,
      %get3A_442 = vector.shape_cast %get3A_441 : vector<1x16xf32> to vector<16xf32>
      %mul3A_443 = arith.mulf %get3A_434, %get3A_442 : vector<16xf32>
      %xor3A_444 = arith.constant 8 : i32
      %xor3A_445 = vector.broadcast %xor3A_444 : i32 to vector<16xi32>
      %xor3A_446 = arith.xori %iota3A, %xor3A_445 : vector<16xi32>
      %broadcast_in_dim3A_447 = vector.shape_cast %xor3A_446 : vector<16xi32> to vector<16x1xi32>
      %gather3A_448 = vector.shape_cast %broadcast_in_dim3A_447 : vector<16x1xi32> to vector<16xi32>
      %gather3A_449 = tpu.dynamic_gather %mul3A_443[%gather3A_448] in [0] : vector<16xf32>, vector<16xi32> -> vector<16xf32>
      %add3A_450 = arith.addf %mul3A_443, %gather3A_449 : vector<16xf32>
      %xor3A_451 = arith.constant 4 : i32
      %xor3A_452 = vector.broadcast %xor3A_451 : i32 to vector<16xi32>
      %xor3A_453 = arith.xori %iota3A, %xor3A_452 : vector<16xi32>
      %broadcast_in_dim3A_454 = vector.shape_cast %xor3A_453 : vector<16xi32> to vector<16x1xi32>
      %gather3A_455 = vector.shape_cast %broadcast_in_dim3A_454 : vector<16x1xi32> to vector<16xi32>
      %gather3A_456 = tpu.dynamic_gather %add3A_450[%gather3A_455] in [0] : vector<16xf32>, vector<16xi32> -> vector<16xf32>
      %add3A_457 = arith.addf %add3A_450, %gather3A_456 : vector<16xf32>
      %xor3A_458 = arith.constant 2 : i32
      %xor3A_459 = vector.broadcast %xor3A_458 : i32 to vector<16xi32>
      %xor3A_460 = arith.xori %iota3A, %xor3A_459 : vector<16xi32>
      %broadcast_in_dim3A_461 = vector.shape_cast %xor3A_460 : vector<16xi32> to vector<16x1xi32>
      %gather3A_462 = vector.shape_cast %broadcast_in_dim3A_461 : vector<16x1xi32> to vector<16xi32>
      %gather3A_463 = tpu.dynamic_gather %add3A_457[%gather3A_462] in [0] : vector<16xf32>, vector<16xi32> -> vector<16xf32>
      %add3A_464 = arith.addf %add3A_457, %gather3A_463 : vector<16xf32>
      %xor3A_465 = arith.constant 1 : i32
      %xor3A_466 = vector.broadcast %xor3A_465 : i32 to vector<16xi32>
      %xor3A_467 = arith.xori %iota3A, %xor3A_466 : vector<16xi32>
      %broadcast_in_dim3A_468 = vector.shape_cast %xor3A_467 : vector<16xi32> to vector<16x1xi32>
      %gather3A_469 = vector.shape_cast %broadcast_in_dim3A_468 : vector<16x1xi32> to vector<16xi32>
      %gather3A_470 = tpu.dynamic_gather %add3A_464[%gather3A_469] in [0] : vector<16xf32>, vector<16xi32> -> vector<16xf32>
      %add3A_471 = arith.addf %add3A_464, %gather3A_470 : vector<16xf32>
      %eq3A_472 = arith.constant 5 : i32
      %eq3A_473 = vector.broadcast %eq3A_472 : i32 to vector<16xi32>
      %eq3A_474 = arith.cmpi eq, %iota3A, %eq3A_473 : vector<16xi32>
      %select_n3A_475 = arith.select %eq3A_474, %add3A_471, %select_n3A_422 : vector<16xi1>, vector<16xf32>
      %slice3A_476 = vector.extract_strided_slice %and3A_154 {offsets = [6], sizes = [1], strides = [1]} : vector<16xi32> to vector<1xi32>
      %squeeze3A_477 = vector.extract %slice3A_476[0] : i32 from vector<1xi32>
      %slice3A_478 = vector.extract_strided_slice %and3A_162 {offsets = [6], sizes = [1], strides = [1]} : vector<16xi32> to vector<1xi32>
      %squeeze3A_479 = vector.extract %slice3A_478[0] : i32 from vector<1xi32>
      %add3A_480 = arith.constant 6 : i32
      %add3A_481 = arith.addi %mul3A_148, %add3A_480 : i32
      %mul3A_482 = arith.constant 16 : i32
      %mul3A_483 = arith.muli %squeeze3A_477, %mul3A_482 : i32
      %get3A_484 = arith.index_cast %add3A_481 : i32 to index
      %get3A_485 = arith.index_cast %mul3A_483 : i32 to index
      %get3A_486 = tpu.vector_load %arg10[%get3A_484, %get3A_485] {strides = array<i32>} : memref<256x128xf32, #tpu.memory_space<vmem>>, vector<1x16xf32>,
      %get3A_487 = vector.shape_cast %get3A_486 : vector<1x16xf32> to vector<16xf32>
      %add3A_488 = arith.constant 6 : i32
      %add3A_489 = arith.addi %mul3A_148, %add3A_488 : i32
      %mul3A_490 = arith.constant 16 : i32
      %mul3A_491 = arith.muli %squeeze3A_479, %mul3A_490 : i32
      %get3A_492 = arith.index_cast %add3A_489 : i32 to index
      %get3A_493 = arith.index_cast %mul3A_491 : i32 to index
      %get3A_494 = tpu.vector_load %arg11[%get3A_492, %get3A_493] {strides = array<i32>} : memref<256x128xf32, #tpu.memory_space<vmem>>, vector<1x16xf32>,
      %get3A_495 = vector.shape_cast %get3A_494 : vector<1x16xf32> to vector<16xf32>
      %mul3A_496 = arith.mulf %get3A_487, %get3A_495 : vector<16xf32>
      %xor3A_497 = arith.constant 8 : i32
      %xor3A_498 = vector.broadcast %xor3A_497 : i32 to vector<16xi32>
      %xor3A_499 = arith.xori %iota3A, %xor3A_498 : vector<16xi32>
      %broadcast_in_dim3A_500 = vector.shape_cast %xor3A_499 : vector<16xi32> to vector<16x1xi32>
      %gather3A_501 = vector.shape_cast %broadcast_in_dim3A_500 : vector<16x1xi32> to vector<16xi32>
      %gather3A_502 = tpu.dynamic_gather %mul3A_496[%gather3A_501] in [0] : vector<16xf32>, vector<16xi32> -> vector<16xf32>
      %add3A_503 = arith.addf %mul3A_496, %gather3A_502 : vector<16xf32>
      %xor3A_504 = arith.constant 4 : i32
      %xor3A_505 = vector.broadcast %xor3A_504 : i32 to vector<16xi32>
      %xor3A_506 = arith.xori %iota3A, %xor3A_505 : vector<16xi32>
      %broadcast_in_dim3A_507 = vector.shape_cast %xor3A_506 : vector<16xi32> to vector<16x1xi32>
      %gather3A_508 = vector.shape_cast %broadcast_in_dim3A_507 : vector<16x1xi32> to vector<16xi32>
      %gather3A_509 = tpu.dynamic_gather %add3A_503[%gather3A_508] in [0] : vector<16xf32>, vector<16xi32> -> vector<16xf32>
      %add3A_510 = arith.addf %add3A_503, %gather3A_509 : vector<16xf32>
      %xor3A_511 = arith.constant 2 : i32
      %xor3A_512 = vector.broadcast %xor3A_511 : i32 to vector<16xi32>
      %xor3A_513 = arith.xori %iota3A, %xor3A_512 : vector<16xi32>
      %broadcast_in_dim3A_514 = vector.shape_cast %xor3A_513 : vector<16xi32> to vector<16x1xi32>
      %gather3A_515 = vector.shape_cast %broadcast_in_dim3A_514 : vector<16x1xi32> to vector<16xi32>
      %gather3A_516 = tpu.dynamic_gather %add3A_510[%gather3A_515] in [0] : vector<16xf32>, vector<16xi32> -> vector<16xf32>
      %add3A_517 = arith.addf %add3A_510, %gather3A_516 : vector<16xf32>
      %xor3A_518 = arith.constant 1 : i32
      %xor3A_519 = vector.broadcast %xor3A_518 : i32 to vector<16xi32>
      %xor3A_520 = arith.xori %iota3A, %xor3A_519 : vector<16xi32>
      %broadcast_in_dim3A_521 = vector.shape_cast %xor3A_520 : vector<16xi32> to vector<16x1xi32>
      %gather3A_522 = vector.shape_cast %broadcast_in_dim3A_521 : vector<16x1xi32> to vector<16xi32>
      %gather3A_523 = tpu.dynamic_gather %add3A_517[%gather3A_522] in [0] : vector<16xf32>, vector<16xi32> -> vector<16xf32>
      %add3A_524 = arith.addf %add3A_517, %gather3A_523 : vector<16xf32>
      %eq3A_525 = arith.constant 6 : i32
      %eq3A_526 = vector.broadcast %eq3A_525 : i32 to vector<16xi32>
      %eq3A_527 = arith.cmpi eq, %iota3A, %eq3A_526 : vector<16xi32>
      %select_n3A_528 = arith.select %eq3A_527, %add3A_524, %select_n3A_475 : vector<16xi1>, vector<16xf32>
      %slice3A_529 = vector.extract_strided_slice %and3A_154 {offsets = [7], sizes = [1], strides = [1]} : vector<16xi32> to vector<1xi32>
      %squeeze3A_530 = vector.extract %slice3A_529[0] : i32 from vector<1xi32>
      %slice3A_531 = vector.extract_strided_slice %and3A_162 {offsets = [7], sizes = [1], strides = [1]} : vector<16xi32> to vector<1xi32>
      %squeeze3A_532 = vector.extract %slice3A_531[0] : i32 from vector<1xi32>
      %add3A_533 = arith.constant 7 : i32
      %add3A_534 = arith.addi %mul3A_148, %add3A_533 : i32
      %mul3A_535 = arith.constant 16 : i32
      %mul3A_536 = arith.muli %squeeze3A_530, %mul3A_535 : i32
      %get3A_537 = arith.index_cast %add3A_534 : i32 to index
      %get3A_538 = arith.index_cast %mul3A_536 : i32 to index
      %get3A_539 = tpu.vector_load %arg10[%get3A_537, %get3A_538] {strides = array<i32>} : memref<256x128xf32, #tpu.memory_space<vmem>>, vector<1x16xf32>,
      %get3A_540 = vector.shape_cast %get3A_539 : vector<1x16xf32> to vector<16xf32>
      %add3A_541 = arith.constant 7 : i32
      %add3A_542 = arith.addi %mul3A_148, %add3A_541 : i32
      %mul3A_543 = arith.constant 16 : i32
      %mul3A_544 = arith.muli %squeeze3A_532, %mul3A_543 : i32
      %get3A_545 = arith.index_cast %add3A_542 : i32 to index
      %get3A_546 = arith.index_cast %mul3A_544 : i32 to index
      %get3A_547 = tpu.vector_load %arg11[%get3A_545, %get3A_546] {strides = array<i32>} : memref<256x128xf32, #tpu.memory_space<vmem>>, vector<1x16xf32>,
      %get3A_548 = vector.shape_cast %get3A_547 : vector<1x16xf32> to vector<16xf32>
      %mul3A_549 = arith.mulf %get3A_540, %get3A_548 : vector<16xf32>
      %xor3A_550 = arith.constant 8 : i32
      %xor3A_551 = vector.broadcast %xor3A_550 : i32 to vector<16xi32>
      %xor3A_552 = arith.xori %iota3A, %xor3A_551 : vector<16xi32>
      %broadcast_in_dim3A_553 = vector.shape_cast %xor3A_552 : vector<16xi32> to vector<16x1xi32>
      %gather3A_554 = vector.shape_cast %broadcast_in_dim3A_553 : vector<16x1xi32> to vector<16xi32>
      %gather3A_555 = tpu.dynamic_gather %mul3A_549[%gather3A_554] in [0] : vector<16xf32>, vector<16xi32> -> vector<16xf32>
      %add3A_556 = arith.addf %mul3A_549, %gather3A_555 : vector<16xf32>
      %xor3A_557 = arith.constant 4 : i32
      %xor3A_558 = vector.broadcast %xor3A_557 : i32 to vector<16xi32>
      %xor3A_559 = arith.xori %iota3A, %xor3A_558 : vector<16xi32>
      %broadcast_in_dim3A_560 = vector.shape_cast %xor3A_559 : vector<16xi32> to vector<16x1xi32>
      %gather3A_561 = vector.shape_cast %broadcast_in_dim3A_560 : vector<16x1xi32> to vector<16xi32>
      %gather3A_562 = tpu.dynamic_gather %add3A_556[%gather3A_561] in [0] : vector<16xf32>, vector<16xi32> -> vector<16xf32>
      %add3A_563 = arith.addf %add3A_556, %gather3A_562 : vector<16xf32>
      %xor3A_564 = arith.constant 2 : i32
      %xor3A_565 = vector.broadcast %xor3A_564 : i32 to vector<16xi32>
      %xor3A_566 = arith.xori %iota3A, %xor3A_565 : vector<16xi32>
      %broadcast_in_dim3A_567 = vector.shape_cast %xor3A_566 : vector<16xi32> to vector<16x1xi32>
      %gather3A_568 = vector.shape_cast %broadcast_in_dim3A_567 : vector<16x1xi32> to vector<16xi32>
      %gather3A_569 = tpu.dynamic_gather %add3A_563[%gather3A_568] in [0] : vector<16xf32>, vector<16xi32> -> vector<16xf32>
      %add3A_570 = arith.addf %add3A_563, %gather3A_569 : vector<16xf32>
      %xor3A_571 = arith.constant 1 : i32
      %xor3A_572 = vector.broadcast %xor3A_571 : i32 to vector<16xi32>
      %xor3A_573 = arith.xori %iota3A, %xor3A_572 : vector<16xi32>
      %broadcast_in_dim3A_574 = vector.shape_cast %xor3A_573 : vector<16xi32> to vector<16x1xi32>
      %gather3A_575 = vector.shape_cast %broadcast_in_dim3A_574 : vector<16x1xi32> to vector<16xi32>
      %gather3A_576 = tpu.dynamic_gather %add3A_570[%gather3A_575] in [0] : vector<16xf32>, vector<16xi32> -> vector<16xf32>
      %add3A_577 = arith.addf %add3A_570, %gather3A_576 : vector<16xf32>
      %eq3A_578 = arith.constant 7 : i32
      %eq3A_579 = vector.broadcast %eq3A_578 : i32 to vector<16xi32>
      %eq3A_580 = arith.cmpi eq, %iota3A, %eq3A_579 : vector<16xi32>
      %select_n3A_581 = arith.select %eq3A_580, %add3A_577, %select_n3A_528 : vector<16xi1>, vector<16xf32>
      %slice3A_582 = vector.extract_strided_slice %and3A_154 {offsets = [8], sizes = [1], strides = [1]} : vector<16xi32> to vector<1xi32>
      %squeeze3A_583 = vector.extract %slice3A_582[0] : i32 from vector<1xi32>
      %slice3A_584 = vector.extract_strided_slice %and3A_162 {offsets = [8], sizes = [1], strides = [1]} : vector<16xi32> to vector<1xi32>
      %squeeze3A_585 = vector.extract %slice3A_584[0] : i32 from vector<1xi32>
      %add3A_586 = arith.constant 8 : i32
      %add3A_587 = arith.addi %mul3A_148, %add3A_586 : i32
      %mul3A_588 = arith.constant 16 : i32
      %mul3A_589 = arith.muli %squeeze3A_583, %mul3A_588 : i32
      %get3A_590 = arith.index_cast %add3A_587 : i32 to index
      %get3A_591 = arith.index_cast %mul3A_589 : i32 to index
      %get3A_592 = tpu.vector_load %arg10[%get3A_590, %get3A_591] {strides = array<i32>} : memref<256x128xf32, #tpu.memory_space<vmem>>, vector<1x16xf32>,
      %get3A_593 = vector.shape_cast %get3A_592 : vector<1x16xf32> to vector<16xf32>
      %add3A_594 = arith.constant 8 : i32
      %add3A_595 = arith.addi %mul3A_148, %add3A_594 : i32
      %mul3A_596 = arith.constant 16 : i32
      %mul3A_597 = arith.muli %squeeze3A_585, %mul3A_596 : i32
      %get3A_598 = arith.index_cast %add3A_595 : i32 to index
      %get3A_599 = arith.index_cast %mul3A_597 : i32 to index
      %get3A_600 = tpu.vector_load %arg11[%get3A_598, %get3A_599] {strides = array<i32>} : memref<256x128xf32, #tpu.memory_space<vmem>>, vector<1x16xf32>,
      %get3A_601 = vector.shape_cast %get3A_600 : vector<1x16xf32> to vector<16xf32>
      %mul3A_602 = arith.mulf %get3A_593, %get3A_601 : vector<16xf32>
      %xor3A_603 = arith.constant 8 : i32
      %xor3A_604 = vector.broadcast %xor3A_603 : i32 to vector<16xi32>
      %xor3A_605 = arith.xori %iota3A, %xor3A_604 : vector<16xi32>
      %broadcast_in_dim3A_606 = vector.shape_cast %xor3A_605 : vector<16xi32> to vector<16x1xi32>
      %gather3A_607 = vector.shape_cast %broadcast_in_dim3A_606 : vector<16x1xi32> to vector<16xi32>
      %gather3A_608 = tpu.dynamic_gather %mul3A_602[%gather3A_607] in [0] : vector<16xf32>, vector<16xi32> -> vector<16xf32>
      %add3A_609 = arith.addf %mul3A_602, %gather3A_608 : vector<16xf32>
      %xor3A_610 = arith.constant 4 : i32
      %xor3A_611 = vector.broadcast %xor3A_610 : i32 to vector<16xi32>
      %xor3A_612 = arith.xori %iota3A, %xor3A_611 : vector<16xi32>
      %broadcast_in_dim3A_613 = vector.shape_cast %xor3A_612 : vector<16xi32> to vector<16x1xi32>
      %gather3A_614 = vector.shape_cast %broadcast_in_dim3A_613 : vector<16x1xi32> to vector<16xi32>
      %gather3A_615 = tpu.dynamic_gather %add3A_609[%gather3A_614] in [0] : vector<16xf32>, vector<16xi32> -> vector<16xf32>
      %add3A_616 = arith.addf %add3A_609, %gather3A_615 : vector<16xf32>
      %xor3A_617 = arith.constant 2 : i32
      %xor3A_618 = vector.broadcast %xor3A_617 : i32 to vector<16xi32>
      %xor3A_619 = arith.xori %iota3A, %xor3A_618 : vector<16xi32>
      %broadcast_in_dim3A_620 = vector.shape_cast %xor3A_619 : vector<16xi32> to vector<16x1xi32>
      %gather3A_621 = vector.shape_cast %broadcast_in_dim3A_620 : vector<16x1xi32> to vector<16xi32>
      %gather3A_622 = tpu.dynamic_gather %add3A_616[%gather3A_621] in [0] : vector<16xf32>, vector<16xi32> -> vector<16xf32>
      %add3A_623 = arith.addf %add3A_616, %gather3A_622 : vector<16xf32>
      %xor3A_624 = arith.constant 1 : i32
      %xor3A_625 = vector.broadcast %xor3A_624 : i32 to vector<16xi32>
      %xor3A_626 = arith.xori %iota3A, %xor3A_625 : vector<16xi32>
      %broadcast_in_dim3A_627 = vector.shape_cast %xor3A_626 : vector<16xi32> to vector<16x1xi32>
      %gather3A_628 = vector.shape_cast %broadcast_in_dim3A_627 : vector<16x1xi32> to vector<16xi32>
      %gather3A_629 = tpu.dynamic_gather %add3A_623[%gather3A_628] in [0] : vector<16xf32>, vector<16xi32> -> vector<16xf32>
      %add3A_630 = arith.addf %add3A_623, %gather3A_629 : vector<16xf32>
      %eq3A_631 = arith.constant 8 : i32
      %eq3A_632 = vector.broadcast %eq3A_631 : i32 to vector<16xi32>
      %eq3A_633 = arith.cmpi eq, %iota3A, %eq3A_632 : vector<16xi32>
      %select_n3A_634 = arith.select %eq3A_633, %add3A_630, %select_n3A_581 : vector<16xi1>, vector<16xf32>
      %slice3A_635 = vector.extract_strided_slice %and3A_154 {offsets = [9], sizes = [1], strides = [1]} : vector<16xi32> to vector<1xi32>
      %squeeze3A_636 = vector.extract %slice3A_635[0] : i32 from vector<1xi32>
      %slice3A_637 = vector.extract_strided_slice %and3A_162 {offsets = [9], sizes = [1], strides = [1]} : vector<16xi32> to vector<1xi32>
      %squeeze3A_638 = vector.extract %slice3A_637[0] : i32 from vector<1xi32>
      %add3A_639 = arith.constant 9 : i32
      %add3A_640 = arith.addi %mul3A_148, %add3A_639 : i32
      %mul3A_641 = arith.constant 16 : i32
      %mul3A_642 = arith.muli %squeeze3A_636, %mul3A_641 : i32
      %get3A_643 = arith.index_cast %add3A_640 : i32 to index
      %get3A_644 = arith.index_cast %mul3A_642 : i32 to index
      %get3A_645 = tpu.vector_load %arg10[%get3A_643, %get3A_644] {strides = array<i32>} : memref<256x128xf32, #tpu.memory_space<vmem>>, vector<1x16xf32>,
      %get3A_646 = vector.shape_cast %get3A_645 : vector<1x16xf32> to vector<16xf32>
      %add3A_647 = arith.constant 9 : i32
      %add3A_648 = arith.addi %mul3A_148, %add3A_647 : i32
      %mul3A_649 = arith.constant 16 : i32
      %mul3A_650 = arith.muli %squeeze3A_638, %mul3A_649 : i32
      %get3A_651 = arith.index_cast %add3A_648 : i32 to index
      %get3A_652 = arith.index_cast %mul3A_650 : i32 to index
      %get3A_653 = tpu.vector_load %arg11[%get3A_651, %get3A_652] {strides = array<i32>} : memref<256x128xf32, #tpu.memory_space<vmem>>, vector<1x16xf32>,
      %get3A_654 = vector.shape_cast %get3A_653 : vector<1x16xf32> to vector<16xf32>
      %mul3A_655 = arith.mulf %get3A_646, %get3A_654 : vector<16xf32>
      %xor3A_656 = arith.constant 8 : i32
      %xor3A_657 = vector.broadcast %xor3A_656 : i32 to vector<16xi32>
      %xor3A_658 = arith.xori %iota3A, %xor3A_657 : vector<16xi32>
      %broadcast_in_dim3A_659 = vector.shape_cast %xor3A_658 : vector<16xi32> to vector<16x1xi32>
      %gather3A_660 = vector.shape_cast %broadcast_in_dim3A_659 : vector<16x1xi32> to vector<16xi32>
      %gather3A_661 = tpu.dynamic_gather %mul3A_655[%gather3A_660] in [0] : vector<16xf32>, vector<16xi32> -> vector<16xf32>
      %add3A_662 = arith.addf %mul3A_655, %gather3A_661 : vector<16xf32>
      %xor3A_663 = arith.constant 4 : i32
      %xor3A_664 = vector.broadcast %xor3A_663 : i32 to vector<16xi32>
      %xor3A_665 = arith.xori %iota3A, %xor3A_664 : vector<16xi32>
      %broadcast_in_dim3A_666 = vector.shape_cast %xor3A_665 : vector<16xi32> to vector<16x1xi32>
      %gather3A_667 = vector.shape_cast %broadcast_in_dim3A_666 : vector<16x1xi32> to vector<16xi32>
      %gather3A_668 = tpu.dynamic_gather %add3A_662[%gather3A_667] in [0] : vector<16xf32>, vector<16xi32> -> vector<16xf32>
      %add3A_669 = arith.addf %add3A_662, %gather3A_668 : vector<16xf32>
      %xor3A_670 = arith.constant 2 : i32
      %xor3A_671 = vector.broadcast %xor3A_670 : i32 to vector<16xi32>
      %xor3A_672 = arith.xori %iota3A, %xor3A_671 : vector<16xi32>
      %broadcast_in_dim3A_673 = vector.shape_cast %xor3A_672 : vector<16xi32> to vector<16x1xi32>
      %gather3A_674 = vector.shape_cast %broadcast_in_dim3A_673 : vector<16x1xi32> to vector<16xi32>
      %gather3A_675 = tpu.dynamic_gather %add3A_669[%gather3A_674] in [0] : vector<16xf32>, vector<16xi32> -> vector<16xf32>
      %add3A_676 = arith.addf %add3A_669, %gather3A_675 : vector<16xf32>
      %xor3A_677 = arith.constant 1 : i32
      %xor3A_678 = vector.broadcast %xor3A_677 : i32 to vector<16xi32>
      %xor3A_679 = arith.xori %iota3A, %xor3A_678 : vector<16xi32>
      %broadcast_in_dim3A_680 = vector.shape_cast %xor3A_679 : vector<16xi32> to vector<16x1xi32>
      %gather3A_681 = vector.shape_cast %broadcast_in_dim3A_680 : vector<16x1xi32> to vector<16xi32>
      %gather3A_682 = tpu.dynamic_gather %add3A_676[%gather3A_681] in [0] : vector<16xf32>, vector<16xi32> -> vector<16xf32>
      %add3A_683 = arith.addf %add3A_676, %gather3A_682 : vector<16xf32>
      %eq3A_684 = arith.constant 9 : i32
      %eq3A_685 = vector.broadcast %eq3A_684 : i32 to vector<16xi32>
      %eq3A_686 = arith.cmpi eq, %iota3A, %eq3A_685 : vector<16xi32>
      %select_n3A_687 = arith.select %eq3A_686, %add3A_683, %select_n3A_634 : vector<16xi1>, vector<16xf32>
      %slice3A_688 = vector.extract_strided_slice %and3A_154 {offsets = [10], sizes = [1], strides = [1]} : vector<16xi32> to vector<1xi32>
      %squeeze3A_689 = vector.extract %slice3A_688[0] : i32 from vector<1xi32>
      %slice3A_690 = vector.extract_strided_slice %and3A_162 {offsets = [10], sizes = [1], strides = [1]} : vector<16xi32> to vector<1xi32>
      %squeeze3A_691 = vector.extract %slice3A_690[0] : i32 from vector<1xi32>
      %add3A_692 = arith.constant 10 : i32
      %add3A_693 = arith.addi %mul3A_148, %add3A_692 : i32
      %mul3A_694 = arith.constant 16 : i32
      %mul3A_695 = arith.muli %squeeze3A_689, %mul3A_694 : i32
      %get3A_696 = arith.index_cast %add3A_693 : i32 to index
      %get3A_697 = arith.index_cast %mul3A_695 : i32 to index
      %get3A_698 = tpu.vector_load %arg10[%get3A_696, %get3A_697] {strides = array<i32>} : memref<256x128xf32, #tpu.memory_space<vmem>>, vector<1x16xf32>,
      %get3A_699 = vector.shape_cast %get3A_698 : vector<1x16xf32> to vector<16xf32>
      %add3A_700 = arith.constant 10 : i32
      %add3A_701 = arith.addi %mul3A_148, %add3A_700 : i32
      %mul3A_702 = arith.constant 16 : i32
      %mul3A_703 = arith.muli %squeeze3A_691, %mul3A_702 : i32
      %get3A_704 = arith.index_cast %add3A_701 : i32 to index
      %get3A_705 = arith.index_cast %mul3A_703 : i32 to index
      %get3A_706 = tpu.vector_load %arg11[%get3A_704, %get3A_705] {strides = array<i32>} : memref<256x128xf32, #tpu.memory_space<vmem>>, vector<1x16xf32>,
      %get3A_707 = vector.shape_cast %get3A_706 : vector<1x16xf32> to vector<16xf32>
      %mul3A_708 = arith.mulf %get3A_699, %get3A_707 : vector<16xf32>
      %xor3A_709 = arith.constant 8 : i32
      %xor3A_710 = vector.broadcast %xor3A_709 : i32 to vector<16xi32>
      %xor3A_711 = arith.xori %iota3A, %xor3A_710 : vector<16xi32>
      %broadcast_in_dim3A_712 = vector.shape_cast %xor3A_711 : vector<16xi32> to vector<16x1xi32>
      %gather3A_713 = vector.shape_cast %broadcast_in_dim3A_712 : vector<16x1xi32> to vector<16xi32>
      %gather3A_714 = tpu.dynamic_gather %mul3A_708[%gather3A_713] in [0] : vector<16xf32>, vector<16xi32> -> vector<16xf32>
      %add3A_715 = arith.addf %mul3A_708, %gather3A_714 : vector<16xf32>
      %xor3A_716 = arith.constant 4 : i32
      %xor3A_717 = vector.broadcast %xor3A_716 : i32 to vector<16xi32>
      %xor3A_718 = arith.xori %iota3A, %xor3A_717 : vector<16xi32>
      %broadcast_in_dim3A_719 = vector.shape_cast %xor3A_718 : vector<16xi32> to vector<16x1xi32>
      %gather3A_720 = vector.shape_cast %broadcast_in_dim3A_719 : vector<16x1xi32> to vector<16xi32>
      %gather3A_721 = tpu.dynamic_gather %add3A_715[%gather3A_720] in [0] : vector<16xf32>, vector<16xi32> -> vector<16xf32>
      %add3A_722 = arith.addf %add3A_715, %gather3A_721 : vector<16xf32>
      %xor3A_723 = arith.constant 2 : i32
      %xor3A_724 = vector.broadcast %xor3A_723 : i32 to vector<16xi32>
      %xor3A_725 = arith.xori %iota3A, %xor3A_724 : vector<16xi32>
      %broadcast_in_dim3A_726 = vector.shape_cast %xor3A_725 : vector<16xi32> to vector<16x1xi32>
      %gather3A_727 = vector.shape_cast %broadcast_in_dim3A_726 : vector<16x1xi32> to vector<16xi32>
      %gather3A_728 = tpu.dynamic_gather %add3A_722[%gather3A_727] in [0] : vector<16xf32>, vector<16xi32> -> vector<16xf32>
      %add3A_729 = arith.addf %add3A_722, %gather3A_728 : vector<16xf32>
      %xor3A_730 = arith.constant 1 : i32
      %xor3A_731 = vector.broadcast %xor3A_730 : i32 to vector<16xi32>
      %xor3A_732 = arith.xori %iota3A, %xor3A_731 : vector<16xi32>
      %broadcast_in_dim3A_733 = vector.shape_cast %xor3A_732 : vector<16xi32> to vector<16x1xi32>
      %gather3A_734 = vector.shape_cast %broadcast_in_dim3A_733 : vector<16x1xi32> to vector<16xi32>
      %gather3A_735 = tpu.dynamic_gather %add3A_729[%gather3A_734] in [0] : vector<16xf32>, vector<16xi32> -> vector<16xf32>
      %add3A_736 = arith.addf %add3A_729, %gather3A_735 : vector<16xf32>
      %eq3A_737 = arith.constant 10 : i32
      %eq3A_738 = vector.broadcast %eq3A_737 : i32 to vector<16xi32>
      %eq3A_739 = arith.cmpi eq, %iota3A, %eq3A_738 : vector<16xi32>
      %select_n3A_740 = arith.select %eq3A_739, %add3A_736, %select_n3A_687 : vector<16xi1>, vector<16xf32>
      %slice3A_741 = vector.extract_strided_slice %and3A_154 {offsets = [11], sizes = [1], strides = [1]} : vector<16xi32> to vector<1xi32>
      %squeeze3A_742 = vector.extract %slice3A_741[0] : i32 from vector<1xi32>
      %slice3A_743 = vector.extract_strided_slice %and3A_162 {offsets = [11], sizes = [1], strides = [1]} : vector<16xi32> to vector<1xi32>
      %squeeze3A_744 = vector.extract %slice3A_743[0] : i32 from vector<1xi32>
      %add3A_745 = arith.constant 11 : i32
      %add3A_746 = arith.addi %mul3A_148, %add3A_745 : i32
      %mul3A_747 = arith.constant 16 : i32
      %mul3A_748 = arith.muli %squeeze3A_742, %mul3A_747 : i32
      %get3A_749 = arith.index_cast %add3A_746 : i32 to index
      %get3A_750 = arith.index_cast %mul3A_748 : i32 to index
      %get3A_751 = tpu.vector_load %arg10[%get3A_749, %get3A_750] {strides = array<i32>} : memref<256x128xf32, #tpu.memory_space<vmem>>, vector<1x16xf32>,
      %get3A_752 = vector.shape_cast %get3A_751 : vector<1x16xf32> to vector<16xf32>
      %add3A_753 = arith.constant 11 : i32
      %add3A_754 = arith.addi %mul3A_148, %add3A_753 : i32
      %mul3A_755 = arith.constant 16 : i32
      %mul3A_756 = arith.muli %squeeze3A_744, %mul3A_755 : i32
      %get3A_757 = arith.index_cast %add3A_754 : i32 to index
      %get3A_758 = arith.index_cast %mul3A_756 : i32 to index
      %get3A_759 = tpu.vector_load %arg11[%get3A_757, %get3A_758] {strides = array<i32>} : memref<256x128xf32, #tpu.memory_space<vmem>>, vector<1x16xf32>,
      %get3A_760 = vector.shape_cast %get3A_759 : vector<1x16xf32> to vector<16xf32>
      %mul3A_761 = arith.mulf %get3A_752, %get3A_760 : vector<16xf32>
      %xor3A_762 = arith.constant 8 : i32
      %xor3A_763 = vector.broadcast %xor3A_762 : i32 to vector<16xi32>
      %xor3A_764 = arith.xori %iota3A, %xor3A_763 : vector<16xi32>
      %broadcast_in_dim3A_765 = vector.shape_cast %xor3A_764 : vector<16xi32> to vector<16x1xi32>
      %gather3A_766 = vector.shape_cast %broadcast_in_dim3A_765 : vector<16x1xi32> to vector<16xi32>
      %gather3A_767 = tpu.dynamic_gather %mul3A_761[%gather3A_766] in [0] : vector<16xf32>, vector<16xi32> -> vector<16xf32>
      %add3A_768 = arith.addf %mul3A_761, %gather3A_767 : vector<16xf32>
      %xor3A_769 = arith.constant 4 : i32
      %xor3A_770 = vector.broadcast %xor3A_769 : i32 to vector<16xi32>
      %xor3A_771 = arith.xori %iota3A, %xor3A_770 : vector<16xi32>
      %broadcast_in_dim3A_772 = vector.shape_cast %xor3A_771 : vector<16xi32> to vector<16x1xi32>
      %gather3A_773 = vector.shape_cast %broadcast_in_dim3A_772 : vector<16x1xi32> to vector<16xi32>
      %gather3A_774 = tpu.dynamic_gather %add3A_768[%gather3A_773] in [0] : vector<16xf32>, vector<16xi32> -> vector<16xf32>
      %add3A_775 = arith.addf %add3A_768, %gather3A_774 : vector<16xf32>
      %xor3A_776 = arith.constant 2 : i32
      %xor3A_777 = vector.broadcast %xor3A_776 : i32 to vector<16xi32>
      %xor3A_778 = arith.xori %iota3A, %xor3A_777 : vector<16xi32>
      %broadcast_in_dim3A_779 = vector.shape_cast %xor3A_778 : vector<16xi32> to vector<16x1xi32>
      %gather3A_780 = vector.shape_cast %broadcast_in_dim3A_779 : vector<16x1xi32> to vector<16xi32>
      %gather3A_781 = tpu.dynamic_gather %add3A_775[%gather3A_780] in [0] : vector<16xf32>, vector<16xi32> -> vector<16xf32>
      %add3A_782 = arith.addf %add3A_775, %gather3A_781 : vector<16xf32>
      %xor3A_783 = arith.constant 1 : i32
      %xor3A_784 = vector.broadcast %xor3A_783 : i32 to vector<16xi32>
      %xor3A_785 = arith.xori %iota3A, %xor3A_784 : vector<16xi32>
      %broadcast_in_dim3A_786 = vector.shape_cast %xor3A_785 : vector<16xi32> to vector<16x1xi32>
      %gather3A_787 = vector.shape_cast %broadcast_in_dim3A_786 : vector<16x1xi32> to vector<16xi32>
      %gather3A_788 = tpu.dynamic_gather %add3A_782[%gather3A_787] in [0] : vector<16xf32>, vector<16xi32> -> vector<16xf32>
      %add3A_789 = arith.addf %add3A_782, %gather3A_788 : vector<16xf32>
      %eq3A_790 = arith.constant 11 : i32
      %eq3A_791 = vector.broadcast %eq3A_790 : i32 to vector<16xi32>
      %eq3A_792 = arith.cmpi eq, %iota3A, %eq3A_791 : vector<16xi32>
      %select_n3A_793 = arith.select %eq3A_792, %add3A_789, %select_n3A_740 : vector<16xi1>, vector<16xf32>
      %slice3A_794 = vector.extract_strided_slice %and3A_154 {offsets = [12], sizes = [1], strides = [1]} : vector<16xi32> to vector<1xi32>
      %squeeze3A_795 = vector.extract %slice3A_794[0] : i32 from vector<1xi32>
      %slice3A_796 = vector.extract_strided_slice %and3A_162 {offsets = [12], sizes = [1], strides = [1]} : vector<16xi32> to vector<1xi32>
      %squeeze3A_797 = vector.extract %slice3A_796[0] : i32 from vector<1xi32>
      %add3A_798 = arith.constant 12 : i32
      %add3A_799 = arith.addi %mul3A_148, %add3A_798 : i32
      %mul3A_800 = arith.constant 16 : i32
      %mul3A_801 = arith.muli %squeeze3A_795, %mul3A_800 : i32
      %get3A_802 = arith.index_cast %add3A_799 : i32 to index
      %get3A_803 = arith.index_cast %mul3A_801 : i32 to index
      %get3A_804 = tpu.vector_load %arg10[%get3A_802, %get3A_803] {strides = array<i32>} : memref<256x128xf32, #tpu.memory_space<vmem>>, vector<1x16xf32>,
      %get3A_805 = vector.shape_cast %get3A_804 : vector<1x16xf32> to vector<16xf32>
      %add3A_806 = arith.constant 12 : i32
      %add3A_807 = arith.addi %mul3A_148, %add3A_806 : i32
      %mul3A_808 = arith.constant 16 : i32
      %mul3A_809 = arith.muli %squeeze3A_797, %mul3A_808 : i32
      %get3A_810 = arith.index_cast %add3A_807 : i32 to index
      %get3A_811 = arith.index_cast %mul3A_809 : i32 to index
      %get3A_812 = tpu.vector_load %arg11[%get3A_810, %get3A_811] {strides = array<i32>} : memref<256x128xf32, #tpu.memory_space<vmem>>, vector<1x16xf32>,
      %get3A_813 = vector.shape_cast %get3A_812 : vector<1x16xf32> to vector<16xf32>
      %mul3A_814 = arith.mulf %get3A_805, %get3A_813 : vector<16xf32>
      %xor3A_815 = arith.constant 8 : i32
      %xor3A_816 = vector.broadcast %xor3A_815 : i32 to vector<16xi32>
      %xor3A_817 = arith.xori %iota3A, %xor3A_816 : vector<16xi32>
      %broadcast_in_dim3A_818 = vector.shape_cast %xor3A_817 : vector<16xi32> to vector<16x1xi32>
      %gather3A_819 = vector.shape_cast %broadcast_in_dim3A_818 : vector<16x1xi32> to vector<16xi32>
      %gather3A_820 = tpu.dynamic_gather %mul3A_814[%gather3A_819] in [0] : vector<16xf32>, vector<16xi32> -> vector<16xf32>
      %add3A_821 = arith.addf %mul3A_814, %gather3A_820 : vector<16xf32>
      %xor3A_822 = arith.constant 4 : i32
      %xor3A_823 = vector.broadcast %xor3A_822 : i32 to vector<16xi32>
      %xor3A_824 = arith.xori %iota3A, %xor3A_823 : vector<16xi32>
      %broadcast_in_dim3A_825 = vector.shape_cast %xor3A_824 : vector<16xi32> to vector<16x1xi32>
      %gather3A_826 = vector.shape_cast %broadcast_in_dim3A_825 : vector<16x1xi32> to vector<16xi32>
      %gather3A_827 = tpu.dynamic_gather %add3A_821[%gather3A_826] in [0] : vector<16xf32>, vector<16xi32> -> vector<16xf32>
      %add3A_828 = arith.addf %add3A_821, %gather3A_827 : vector<16xf32>
      %xor3A_829 = arith.constant 2 : i32
      %xor3A_830 = vector.broadcast %xor3A_829 : i32 to vector<16xi32>
      %xor3A_831 = arith.xori %iota3A, %xor3A_830 : vector<16xi32>
      %broadcast_in_dim3A_832 = vector.shape_cast %xor3A_831 : vector<16xi32> to vector<16x1xi32>
      %gather3A_833 = vector.shape_cast %broadcast_in_dim3A_832 : vector<16x1xi32> to vector<16xi32>
      %gather3A_834 = tpu.dynamic_gather %add3A_828[%gather3A_833] in [0] : vector<16xf32>, vector<16xi32> -> vector<16xf32>
      %add3A_835 = arith.addf %add3A_828, %gather3A_834 : vector<16xf32>
      %xor3A_836 = arith.constant 1 : i32
      %xor3A_837 = vector.broadcast %xor3A_836 : i32 to vector<16xi32>
      %xor3A_838 = arith.xori %iota3A, %xor3A_837 : vector<16xi32>
      %broadcast_in_dim3A_839 = vector.shape_cast %xor3A_838 : vector<16xi32> to vector<16x1xi32>
      %gather3A_840 = vector.shape_cast %broadcast_in_dim3A_839 : vector<16x1xi32> to vector<16xi32>
      %gather3A_841 = tpu.dynamic_gather %add3A_835[%gather3A_840] in [0] : vector<16xf32>, vector<16xi32> -> vector<16xf32>
      %add3A_842 = arith.addf %add3A_835, %gather3A_841 : vector<16xf32>
      %eq3A_843 = arith.constant 12 : i32
      %eq3A_844 = vector.broadcast %eq3A_843 : i32 to vector<16xi32>
      %eq3A_845 = arith.cmpi eq, %iota3A, %eq3A_844 : vector<16xi32>
      %select_n3A_846 = arith.select %eq3A_845, %add3A_842, %select_n3A_793 : vector<16xi1>, vector<16xf32>
      %slice3A_847 = vector.extract_strided_slice %and3A_154 {offsets = [13], sizes = [1], strides = [1]} : vector<16xi32> to vector<1xi32>
      %squeeze3A_848 = vector.extract %slice3A_847[0] : i32 from vector<1xi32>
      %slice3A_849 = vector.extract_strided_slice %and3A_162 {offsets = [13], sizes = [1], strides = [1]} : vector<16xi32> to vector<1xi32>
      %squeeze3A_850 = vector.extract %slice3A_849[0] : i32 from vector<1xi32>
      %add3A_851 = arith.constant 13 : i32
      %add3A_852 = arith.addi %mul3A_148, %add3A_851 : i32
      %mul3A_853 = arith.constant 16 : i32
      %mul3A_854 = arith.muli %squeeze3A_848, %mul3A_853 : i32
      %get3A_855 = arith.index_cast %add3A_852 : i32 to index
      %get3A_856 = arith.index_cast %mul3A_854 : i32 to index
      %get3A_857 = tpu.vector_load %arg10[%get3A_855, %get3A_856] {strides = array<i32>} : memref<256x128xf32, #tpu.memory_space<vmem>>, vector<1x16xf32>,
      %get3A_858 = vector.shape_cast %get3A_857 : vector<1x16xf32> to vector<16xf32>
      %add3A_859 = arith.constant 13 : i32
      %add3A_860 = arith.addi %mul3A_148, %add3A_859 : i32
      %mul3A_861 = arith.constant 16 : i32
      %mul3A_862 = arith.muli %squeeze3A_850, %mul3A_861 : i32
      %get3A_863 = arith.index_cast %add3A_860 : i32 to index
      %get3A_864 = arith.index_cast %mul3A_862 : i32 to index
      %get3A_865 = tpu.vector_load %arg11[%get3A_863, %get3A_864] {strides = array<i32>} : memref<256x128xf32, #tpu.memory_space<vmem>>, vector<1x16xf32>,
      %get3A_866 = vector.shape_cast %get3A_865 : vector<1x16xf32> to vector<16xf32>
      %mul3A_867 = arith.mulf %get3A_858, %get3A_866 : vector<16xf32>
      %xor3A_868 = arith.constant 8 : i32
      %xor3A_869 = vector.broadcast %xor3A_868 : i32 to vector<16xi32>
      %xor3A_870 = arith.xori %iota3A, %xor3A_869 : vector<16xi32>
      %broadcast_in_dim3A_871 = vector.shape_cast %xor3A_870 : vector<16xi32> to vector<16x1xi32>
      %gather3A_872 = vector.shape_cast %broadcast_in_dim3A_871 : vector<16x1xi32> to vector<16xi32>
      %gather3A_873 = tpu.dynamic_gather %mul3A_867[%gather3A_872] in [0] : vector<16xf32>, vector<16xi32> -> vector<16xf32>
      %add3A_874 = arith.addf %mul3A_867, %gather3A_873 : vector<16xf32>
      %xor3A_875 = arith.constant 4 : i32
      %xor3A_876 = vector.broadcast %xor3A_875 : i32 to vector<16xi32>
      %xor3A_877 = arith.xori %iota3A, %xor3A_876 : vector<16xi32>
      %broadcast_in_dim3A_878 = vector.shape_cast %xor3A_877 : vector<16xi32> to vector<16x1xi32>
      %gather3A_879 = vector.shape_cast %broadcast_in_dim3A_878 : vector<16x1xi32> to vector<16xi32>
      %gather3A_880 = tpu.dynamic_gather %add3A_874[%gather3A_879] in [0] : vector<16xf32>, vector<16xi32> -> vector<16xf32>
      %add3A_881 = arith.addf %add3A_874, %gather3A_880 : vector<16xf32>
      %xor3A_882 = arith.constant 2 : i32
      %xor3A_883 = vector.broadcast %xor3A_882 : i32 to vector<16xi32>
      %xor3A_884 = arith.xori %iota3A, %xor3A_883 : vector<16xi32>
      %broadcast_in_dim3A_885 = vector.shape_cast %xor3A_884 : vector<16xi32> to vector<16x1xi32>
      %gather3A_886 = vector.shape_cast %broadcast_in_dim3A_885 : vector<16x1xi32> to vector<16xi32>
      %gather3A_887 = tpu.dynamic_gather %add3A_881[%gather3A_886] in [0] : vector<16xf32>, vector<16xi32> -> vector<16xf32>
      %add3A_888 = arith.addf %add3A_881, %gather3A_887 : vector<16xf32>
      %xor3A_889 = arith.constant 1 : i32
      %xor3A_890 = vector.broadcast %xor3A_889 : i32 to vector<16xi32>
      %xor3A_891 = arith.xori %iota3A, %xor3A_890 : vector<16xi32>
      %broadcast_in_dim3A_892 = vector.shape_cast %xor3A_891 : vector<16xi32> to vector<16x1xi32>
      %gather3A_893 = vector.shape_cast %broadcast_in_dim3A_892 : vector<16x1xi32> to vector<16xi32>
      %gather3A_894 = tpu.dynamic_gather %add3A_888[%gather3A_893] in [0] : vector<16xf32>, vector<16xi32> -> vector<16xf32>
      %add3A_895 = arith.addf %add3A_888, %gather3A_894 : vector<16xf32>
      %eq3A_896 = arith.constant 13 : i32
      %eq3A_897 = vector.broadcast %eq3A_896 : i32 to vector<16xi32>
      %eq3A_898 = arith.cmpi eq, %iota3A, %eq3A_897 : vector<16xi32>
      %select_n3A_899 = arith.select %eq3A_898, %add3A_895, %select_n3A_846 : vector<16xi1>, vector<16xf32>
      %slice3A_900 = vector.extract_strided_slice %and3A_154 {offsets = [14], sizes = [1], strides = [1]} : vector<16xi32> to vector<1xi32>
      %squeeze3A_901 = vector.extract %slice3A_900[0] : i32 from vector<1xi32>
      %slice3A_902 = vector.extract_strided_slice %and3A_162 {offsets = [14], sizes = [1], strides = [1]} : vector<16xi32> to vector<1xi32>
      %squeeze3A_903 = vector.extract %slice3A_902[0] : i32 from vector<1xi32>
      %add3A_904 = arith.constant 14 : i32
      %add3A_905 = arith.addi %mul3A_148, %add3A_904 : i32
      %mul3A_906 = arith.constant 16 : i32
      %mul3A_907 = arith.muli %squeeze3A_901, %mul3A_906 : i32
      %get3A_908 = arith.index_cast %add3A_905 : i32 to index
      %get3A_909 = arith.index_cast %mul3A_907 : i32 to index
      %get3A_910 = tpu.vector_load %arg10[%get3A_908, %get3A_909] {strides = array<i32>} : memref<256x128xf32, #tpu.memory_space<vmem>>, vector<1x16xf32>,
      %get3A_911 = vector.shape_cast %get3A_910 : vector<1x16xf32> to vector<16xf32>
      %add3A_912 = arith.constant 14 : i32
      %add3A_913 = arith.addi %mul3A_148, %add3A_912 : i32
      %mul3A_914 = arith.constant 16 : i32
      %mul3A_915 = arith.muli %squeeze3A_903, %mul3A_914 : i32
      %get3A_916 = arith.index_cast %add3A_913 : i32 to index
      %get3A_917 = arith.index_cast %mul3A_915 : i32 to index
      %get3A_918 = tpu.vector_load %arg11[%get3A_916, %get3A_917] {strides = array<i32>} : memref<256x128xf32, #tpu.memory_space<vmem>>, vector<1x16xf32>,
      %get3A_919 = vector.shape_cast %get3A_918 : vector<1x16xf32> to vector<16xf32>
      %mul3A_920 = arith.mulf %get3A_911, %get3A_919 : vector<16xf32>
      %xor3A_921 = arith.constant 8 : i32
      %xor3A_922 = vector.broadcast %xor3A_921 : i32 to vector<16xi32>
      %xor3A_923 = arith.xori %iota3A, %xor3A_922 : vector<16xi32>
      %broadcast_in_dim3A_924 = vector.shape_cast %xor3A_923 : vector<16xi32> to vector<16x1xi32>
      %gather3A_925 = vector.shape_cast %broadcast_in_dim3A_924 : vector<16x1xi32> to vector<16xi32>
      %gather3A_926 = tpu.dynamic_gather %mul3A_920[%gather3A_925] in [0] : vector<16xf32>, vector<16xi32> -> vector<16xf32>
      %add3A_927 = arith.addf %mul3A_920, %gather3A_926 : vector<16xf32>
      %xor3A_928 = arith.constant 4 : i32
      %xor3A_929 = vector.broadcast %xor3A_928 : i32 to vector<16xi32>
      %xor3A_930 = arith.xori %iota3A, %xor3A_929 : vector<16xi32>
      %broadcast_in_dim3A_931 = vector.shape_cast %xor3A_930 : vector<16xi32> to vector<16x1xi32>
      %gather3A_932 = vector.shape_cast %broadcast_in_dim3A_931 : vector<16x1xi32> to vector<16xi32>
      %gather3A_933 = tpu.dynamic_gather %add3A_927[%gather3A_932] in [0] : vector<16xf32>, vector<16xi32> -> vector<16xf32>
      %add3A_934 = arith.addf %add3A_927, %gather3A_933 : vector<16xf32>
      %xor3A_935 = arith.constant 2 : i32
      %xor3A_936 = vector.broadcast %xor3A_935 : i32 to vector<16xi32>
      %xor3A_937 = arith.xori %iota3A, %xor3A_936 : vector<16xi32>
      %broadcast_in_dim3A_938 = vector.shape_cast %xor3A_937 : vector<16xi32> to vector<16x1xi32>
      %gather3A_939 = vector.shape_cast %broadcast_in_dim3A_938 : vector<16x1xi32> to vector<16xi32>
      %gather3A_940 = tpu.dynamic_gather %add3A_934[%gather3A_939] in [0] : vector<16xf32>, vector<16xi32> -> vector<16xf32>
      %add3A_941 = arith.addf %add3A_934, %gather3A_940 : vector<16xf32>
      %xor3A_942 = arith.constant 1 : i32
      %xor3A_943 = vector.broadcast %xor3A_942 : i32 to vector<16xi32>
      %xor3A_944 = arith.xori %iota3A, %xor3A_943 : vector<16xi32>
      %broadcast_in_dim3A_945 = vector.shape_cast %xor3A_944 : vector<16xi32> to vector<16x1xi32>
      %gather3A_946 = vector.shape_cast %broadcast_in_dim3A_945 : vector<16x1xi32> to vector<16xi32>
      %gather3A_947 = tpu.dynamic_gather %add3A_941[%gather3A_946] in [0] : vector<16xf32>, vector<16xi32> -> vector<16xf32>
      %add3A_948 = arith.addf %add3A_941, %gather3A_947 : vector<16xf32>
      %eq3A_949 = arith.constant 14 : i32
      %eq3A_950 = vector.broadcast %eq3A_949 : i32 to vector<16xi32>
      %eq3A_951 = arith.cmpi eq, %iota3A, %eq3A_950 : vector<16xi32>
      %select_n3A_952 = arith.select %eq3A_951, %add3A_948, %select_n3A_899 : vector<16xi1>, vector<16xf32>
      %slice3A_953 = vector.extract_strided_slice %and3A_154 {offsets = [15], sizes = [1], strides = [1]} : vector<16xi32> to vector<1xi32>
      %squeeze3A_954 = vector.extract %slice3A_953[0] : i32 from vector<1xi32>
      %slice3A_955 = vector.extract_strided_slice %and3A_162 {offsets = [15], sizes = [1], strides = [1]} : vector<16xi32> to vector<1xi32>
      %squeeze3A_956 = vector.extract %slice3A_955[0] : i32 from vector<1xi32>
      %add3A_957 = arith.constant 15 : i32
      %add3A_958 = arith.addi %mul3A_148, %add3A_957 : i32
      %mul3A_959 = arith.constant 16 : i32
      %mul3A_960 = arith.muli %squeeze3A_954, %mul3A_959 : i32
      %get3A_961 = arith.index_cast %add3A_958 : i32 to index
      %get3A_962 = arith.index_cast %mul3A_960 : i32 to index
      %get3A_963 = tpu.vector_load %arg10[%get3A_961, %get3A_962] {strides = array<i32>} : memref<256x128xf32, #tpu.memory_space<vmem>>, vector<1x16xf32>,
      %get3A_964 = vector.shape_cast %get3A_963 : vector<1x16xf32> to vector<16xf32>
      %add3A_965 = arith.constant 15 : i32
      %add3A_966 = arith.addi %mul3A_148, %add3A_965 : i32
      %mul3A_967 = arith.constant 16 : i32
      %mul3A_968 = arith.muli %squeeze3A_956, %mul3A_967 : i32
      %get3A_969 = arith.index_cast %add3A_966 : i32 to index
      %get3A_970 = arith.index_cast %mul3A_968 : i32 to index
      %get3A_971 = tpu.vector_load %arg11[%get3A_969, %get3A_970] {strides = array<i32>} : memref<256x128xf32, #tpu.memory_space<vmem>>, vector<1x16xf32>,
      %get3A_972 = vector.shape_cast %get3A_971 : vector<1x16xf32> to vector<16xf32>
      %mul3A_973 = arith.mulf %get3A_964, %get3A_972 : vector<16xf32>
      %xor3A_974 = arith.constant 8 : i32
      %xor3A_975 = vector.broadcast %xor3A_974 : i32 to vector<16xi32>
      %xor3A_976 = arith.xori %iota3A, %xor3A_975 : vector<16xi32>
      %broadcast_in_dim3A_977 = vector.shape_cast %xor3A_976 : vector<16xi32> to vector<16x1xi32>
      %gather3A_978 = vector.shape_cast %broadcast_in_dim3A_977 : vector<16x1xi32> to vector<16xi32>
      %gather3A_979 = tpu.dynamic_gather %mul3A_973[%gather3A_978] in [0] : vector<16xf32>, vector<16xi32> -> vector<16xf32>
      %add3A_980 = arith.addf %mul3A_973, %gather3A_979 : vector<16xf32>
      %xor3A_981 = arith.constant 4 : i32
      %xor3A_982 = vector.broadcast %xor3A_981 : i32 to vector<16xi32>
      %xor3A_983 = arith.xori %iota3A, %xor3A_982 : vector<16xi32>
      %broadcast_in_dim3A_984 = vector.shape_cast %xor3A_983 : vector<16xi32> to vector<16x1xi32>
      %gather3A_985 = vector.shape_cast %broadcast_in_dim3A_984 : vector<16x1xi32> to vector<16xi32>
      %gather3A_986 = tpu.dynamic_gather %add3A_980[%gather3A_985] in [0] : vector<16xf32>, vector<16xi32> -> vector<16xf32>
      %add3A_987 = arith.addf %add3A_980, %gather3A_986 : vector<16xf32>
      %xor3A_988 = arith.constant 2 : i32
      %xor3A_989 = vector.broadcast %xor3A_988 : i32 to vector<16xi32>
      %xor3A_990 = arith.xori %iota3A, %xor3A_989 : vector<16xi32>
      %broadcast_in_dim3A_991 = vector.shape_cast %xor3A_990 : vector<16xi32> to vector<16x1xi32>
      %gather3A_992 = vector.shape_cast %broadcast_in_dim3A_991 : vector<16x1xi32> to vector<16xi32>
      %gather3A_993 = tpu.dynamic_gather %add3A_987[%gather3A_992] in [0] : vector<16xf32>, vector<16xi32> -> vector<16xf32>
      %add3A_994 = arith.addf %add3A_987, %gather3A_993 : vector<16xf32>
      %xor3A_995 = arith.constant 1 : i32
      %xor3A_996 = vector.broadcast %xor3A_995 : i32 to vector<16xi32>
      %xor3A_997 = arith.xori %iota3A, %xor3A_996 : vector<16xi32>
      %broadcast_in_dim3A_998 = vector.shape_cast %xor3A_997 : vector<16xi32> to vector<16x1xi32>
      %gather3A_999 = vector.shape_cast %broadcast_in_dim3A_998 : vector<16x1xi32> to vector<16xi32>
      %gather3A_1000 = tpu.dynamic_gather %add3A_994[%gather3A_999] in [0] : vector<16xf32>, vector<16xi32> -> vector<16xf32>
      %add3A_1001 = arith.addf %add3A_994, %gather3A_1000 : vector<16xf32>
      %eq3A_1002 = arith.constant 15 : i32
      %eq3A_1003 = vector.broadcast %eq3A_1002 : i32 to vector<16xi32>
      %eq3A_1004 = arith.cmpi eq, %iota3A, %eq3A_1003 : vector<16xi32>
      %select_n3A_1005 = arith.select %eq3A_1004, %add3A_1001, %select_n3A_952 : vector<16xi1>, vector<16xf32>
      %neg3A = arith.constant 0.000000e+00 : f32
      %neg3A_1006 = vector.broadcast %neg3A : f32 to vector<16xf32>
      %neg3A_1007 = arith.subf %neg3A_1006, %select_n3A_1005 : vector<16xf32>
      %exp3A = math.exp %neg3A_1007 : vector<16xf32>
      %add3A_1008 = arith.constant 1.000000e+00 : f32
      %add3A_1009 = vector.broadcast %add3A_1008 : f32 to vector<16xf32>
      %add3A_1010 = arith.addf %add3A_1009, %exp3A : vector<16xf32>
      %div3A = arith.constant 1.000000e+00 : f32
      %div3A_1011 = vector.broadcast %div3A : f32 to vector<16xf32>
      %div3A_1012 = arith.divf %div3A_1011, %add3A_1010 : vector<16xf32>
      %add3A_1013 = arith.constant 256 : i32
      %add3A_1014 = arith.addi %add3A_1013, %mul3A_148 : i32
      %swap3A = arith.index_cast %add3A_1014 : i32 to index
      %swap3A_1015 = tpu.vector_load %arg12[%swap3A] {strides = array<i32>} : memref<512xf32, #tpu.memory_space<vmem>>, vector<16xf32>,
      %swap3A_1016 = vector.shape_cast %swap3A_1015 : vector<16xf32> to vector<16xf32>
      %swap3A_1017 = vector.shape_cast %div3A_1012 : vector<16xf32> to vector<16xf32>
      tpu.vector_store %arg12[%swap3A], %swap3A_1017 {strides = array<i32>} : memref<512xf32, #tpu.memory_space<vmem>>, vector<16xf32>,
    }
    %scan3A_145 = arith.constant 16 : i32
    "tpu.region"() ({
      %run_scoped3A = tpu.sem_alloc : memref<!tpu.dma_semaphore, #tpu.memory_space<semaphore_mem>>
      %dma_start3A_146 = tpu.memref_slice %arg5[%mul3A_2] : memref<16384xf32, #tpu.memory_space<hbm>> -> memref<512xf32, #tpu.memory_space<hbm>>
      %dma_start3A_147 = tpu.memref_slice %arg5[%mul3A_2] : memref<16384xf32, #tpu.memory_space<hbm>> -> memref<512xf32, #tpu.memory_space<hbm>>
      tpu.enqueue_dma source(%arg12 : memref<512xf32, #tpu.memory_space<vmem>>) target(%dma_start3A_147 : memref<512xf32, #tpu.memory_space<hbm>>) target_semaphore(%run_scoped3A : memref<!tpu.dma_semaphore, #tpu.memory_space<semaphore_mem>>)
      %dma_wait3A_148 = tpu.memref_slice %arg5[%mul3A_2] : memref<16384xf32, #tpu.memory_space<hbm>> -> memref<512xf32, #tpu.memory_space<hbm>>
      %dma_wait3A_149 = tpu.memref_slice %arg5[%mul3A_2] : memref<16384xf32, #tpu.memory_space<hbm>> -> memref<512xf32, #tpu.memory_space<hbm>>
      tpu.wait_dma2 semaphore(%run_scoped3A : memref<!tpu.dma_semaphore, #tpu.memory_space<semaphore_mem>>) src(%arg12 : memref<512xf32, #tpu.memory_space<vmem>>) dst(%dma_wait3A_149 : memref<512xf32, #tpu.memory_space<hbm>>)
      tpu.yield
    }) : () -> ()
    return
  }
}

module attributes {stable_mosaic.version = 14 : i64} {
  func.func @_tr_body(%arg0: i32, %arg1: memref<16x8192xf32, #tpu.memory_space<vmem>>, %arg2: memref<1024x128xf32, #tpu.memory_space<vmem>>, %arg3: memref<8192x16xf32, #tpu.memory_space<vmem>>) attributes {dimension_semantics = [#tpu.dimension_semantics<arbitrary>], iteration_bounds = array<i64: 123>, scalar_prefetch = 0 : i64, scratch_operands = 1 : i64, tpu.core_type = #tpu.core_type<tc>, window_params = [{transform_indices = @transform_0, window_bounds = array<i64: 16, 8192>}, {transform_indices = @transform_1, window_bounds = array<i64: 1024, 128>}]} {
    %get3A = arith.constant 0 : index
    %get3A_0 = arith.constant 0 : index
    %get3A_1 = vector.load %arg1[%get3A, %get3A_0] : memref<16x8192xf32, #tpu.memory_space<vmem>>, vector<16x8192xf32>
    %transpose3A = tpu.transpose %get3A_1, [1, 0] : vector<16x8192xf32> -> vector<8192x16xf32>
    %swap3A = arith.constant 0 : index
    %swap3A_2 = arith.constant 0 : index
    %swap3A_3 = vector.load %arg3[%swap3A, %swap3A_2] : memref<8192x16xf32, #tpu.memory_space<vmem>>, vector<8192x16xf32>
    tpu.vector_store %arg3[%swap3A, %swap3A_2], %transpose3A {strides = array<i32>} : memref<8192x16xf32, #tpu.memory_space<vmem>>, vector<8192x16xf32>,
    %get3A_4 = arith.constant 0 : index
    %get3A_5 = arith.constant 0 : index
    %get3A_6 = tpu.strided_load %arg3[%get3A_4, %get3A_5] {strides = array<i32: 8, 1>} : memref<8192x16xf32, #tpu.memory_space<vmem>>, vector<1024x16xf32>
    %get3A_7 = arith.constant 1 : index
    %get3A_8 = arith.constant 0 : index
    %get3A_9 = tpu.strided_load %arg3[%get3A_7, %get3A_8] {strides = array<i32: 8, 1>} : memref<8192x16xf32, #tpu.memory_space<vmem>>, vector<1024x16xf32>
    %get3A_10 = arith.constant 2 : index
    %get3A_11 = arith.constant 0 : index
    %get3A_12 = tpu.strided_load %arg3[%get3A_10, %get3A_11] {strides = array<i32: 8, 1>} : memref<8192x16xf32, #tpu.memory_space<vmem>>, vector<1024x16xf32>
    %get3A_13 = arith.constant 3 : index
    %get3A_14 = arith.constant 0 : index
    %get3A_15 = tpu.strided_load %arg3[%get3A_13, %get3A_14] {strides = array<i32: 8, 1>} : memref<8192x16xf32, #tpu.memory_space<vmem>>, vector<1024x16xf32>
    %get3A_16 = arith.constant 4 : index
    %get3A_17 = arith.constant 0 : index
    %get3A_18 = tpu.strided_load %arg3[%get3A_16, %get3A_17] {strides = array<i32: 8, 1>} : memref<8192x16xf32, #tpu.memory_space<vmem>>, vector<1024x16xf32>
    %get3A_19 = arith.constant 5 : index
    %get3A_20 = arith.constant 0 : index
    %get3A_21 = tpu.strided_load %arg3[%get3A_19, %get3A_20] {strides = array<i32: 8, 1>} : memref<8192x16xf32, #tpu.memory_space<vmem>>, vector<1024x16xf32>
    %get3A_22 = arith.constant 6 : index
    %get3A_23 = arith.constant 0 : index
    %get3A_24 = tpu.strided_load %arg3[%get3A_22, %get3A_23] {strides = array<i32: 8, 1>} : memref<8192x16xf32, #tpu.memory_space<vmem>>, vector<1024x16xf32>
    %get3A_25 = arith.constant 7 : index
    %get3A_26 = arith.constant 0 : index
    %get3A_27 = tpu.strided_load %arg3[%get3A_25, %get3A_26] {strides = array<i32: 8, 1>} : memref<8192x16xf32, #tpu.memory_space<vmem>>, vector<1024x16xf32>
    %concatenate3A = tpu.concatenate %get3A_6, %get3A_9, %get3A_12, %get3A_15, %get3A_18, %get3A_21, %get3A_24, %get3A_27 in 1 : vector<1024x16xf32>, vector<1024x16xf32>, vector<1024x16xf32>, vector<1024x16xf32>, vector<1024x16xf32>, vector<1024x16xf32>, vector<1024x16xf32>, vector<1024x16xf32> -> vector<1024x128xf32>
    %swap3A_28 = arith.constant 0 : index
    %swap3A_29 = arith.constant 0 : index
    %swap3A_30 = vector.load %arg2[%swap3A_28, %swap3A_29] : memref<1024x128xf32, #tpu.memory_space<vmem>>, vector<1024x128xf32>
    tpu.vector_store %arg2[%swap3A_28, %swap3A_29], %concatenate3A {strides = array<i32>} : memref<1024x128xf32, #tpu.memory_space<vmem>>, vector<1024x128xf32>,
    return
  }
  func.func @transform_0(%arg0: i32) -> (i32, i32) {
    %c0_i32 = arith.constant 0 : i32
    %c0_i32_0 = arith.constant 0 : i32
    return %c0_i32, %arg0 : i32, i32
  }
  func.func @transform_1(%arg0: i32) -> (i32, i32) {
    %c0_i32 = arith.constant 0 : i32
    %c0_i32_0 = arith.constant 0 : i32
    return %arg0, %c0_i32 : i32, i32
  }
}

</mosaic_0001>

<sc_bundles>
// kernel: _run_full.4.cloned.1.call-start
scs
__scs_entry_jumppad:
0x0: {  	(pc) =	sbr.rel $0x88, $3  }
0x1: {  	(tag) =	ssettag $0x0;
	lr =	simm.s32 $0x1  }
0x2: {  	[smem:$0x3F9E] =	sst lr;
	_ =	strace $0xD0000000  }
0x3: {  	_ = 	snop  }
0x4: {  	_ = 	snop  }
0x5: {  	_ = 	snop  }
0x6: {  	_ = 	snop  }
0x7: {  	_ = 	snop  }
__scs_overlays_trampoline_lowered:
0x8: {  	[smem:$0x3FAD] =	sst s0  }
0x9: {  	[smem:$0x3FAE] =	sst s1  }
0xa: {  	[smem:$0x3FAF] =	sst s2  }
0xb: {  	[smem:$0x3FB0] =	sst s3  }
0xc: {  	[smem:$0x3FB1] =	sst s4  }
0xd: {  	[smem:$0x3FB2] =	sst s5  }
0xe: {  	[smem:$0x3FB3] =	sst s6  }
0xf: {  	[smem:$0x3FB4] =	sst s7  }
0x10: {  	[smem:$0x3FB5] =	sst s8  }
0x11: {  	[smem:$0x3FB6] =	sst s9;
	s0 =	simm.s32 @!p0 $0x0  }
0x12: {  	s1 =	sld [smem:$0x3F9C];
	s0 =	simm.s32 @p0 $0x1  }
0x13: {  	[smem:$0x3FB7] =	sst s0;
	s0 =	simm.s32 @!p1 $0x0  }
0x14: {  	s2 =	sld [smem:$0x3F9B];
	s0 =	simm.s32 @p1 $0x1  }
0x15: {  	[smem:$0x3FB8] =	sst s0;
	s0 =	simm.s32 @!p2 $0x0  }
0x16: {  	s3 =	sld [smem:$0x3FDB];
	s0 =	simm.s32 @p2 $0x1  }
0x17: {  	s4 =	simm.s32 $0x1BF5;
	[smem:$0x3FBA] =	sst s0  }
0x18: {  	s0 =	sld [smem:$0x3F9D];
	_ =	swait.ge [sflag:s4], $0x0  }
0x19: {  	s7 =	sld [smem:$0x3F9E]  }
0x1a: {  	s8 =	sadd.s32 $0xFFFFE003, lr  }
0x1b: {  	s9 =	sadd.s32 $0xFFFFFEF7, lr;
	s5 =	simm.s32 $0xFFFFFFFF;
	p2 =	slt.u32 s8, $0xFFFFF086  }
0x1c: {  	p1 =	slt.u32 s9, $0xF7A;
	s5 =	simm.s32 @!p2 $0x0  }
0x1d: {  	s5 =	simm.s32 @p1 $0x1;
	p0 =	seq.s32 s7, s2  }
0x1e: {  	s7 =	smul.u32 @!p0 $0xF7A, s2;
	p2 =	seq.s32 @!p0 s5, $0x0  }
0x1f: {  	s9 =	smul.u32 $0xF7A, s1;
	s8 =	simm.s32 @!p0 $0x1BF5;
	p2 =	por !p2, p0  }
0x20: {  	[sflag:s8] =	ssyncset.s32 @!p0 $0xFFFFF086;
	s6 =	sadd.s32 @!p0 s3, s7;
	s7 =	simm.s32 @!p0 $0x108  }
0x21: {  	s3 =	sadd.s32 s3, s9;
	s6 =	sadd.s32 @!p0 $0x88, s6;
	s7 =	simm.s32 @p2 $0x1082  }
0x22: {  	[simem:s7], [sflag:s8] =	dma.local @!p0 [hbm:s6], $0xF7A  }
0x23: {  	s9 =	sor.u32 $0xD0000000, s2;
	s6 =	simm.s32 $0x108;
	_ =	swait.ge @!p0 [sflag:s8], $0x0  }
0x24: {  	s3 =	sadd.s32 $0x88, s3;
	s6 =	simm.s32 @!p1 $0x1082;
	[sflag:s4] =	ssyncset.s32 $0xFFFFF086  }
0x25: {  	[simem:s6], [sflag:s4] =	dma.local [hbm:s3], $0xF7A  }
0x26: {  	[smem:$0x3F9E] =	sst s1;
	(tag) =	ssettag s2;
	_ =	strace s9  }
0x27: {  	s1 =	sld [smem:$0x3FAE]  }
0x28: {  	s2 =	sld [smem:$0x3FAF]  }
0x29: {  	s4 =	sld [smem:$0x3FB1]  }
0x2a: {  	p0 =	seq.s32 s5, $0x0;
	s5 =	sld [smem:$0x3FB2]  }
0x2b: {  	s6 =	sld [smem:$0x3FB3]  }
0x2c: {  	s7 =	sld [smem:$0x3FB4]  }
0x2d: {  	s3 =	simm.s32 $0x108;
	s8 =	sld [smem:$0x3FB5]  }
0x2e: {  	s3 =	simm.s32 @!p0 $0x1082;
	s9 =	sld [smem:$0x3FB6]  }
0x2f: {  	lr =	sadd.s32 s0, s3;
	s0 =	sld [smem:$0x3FAD]  }
0x30: {  	s3 =	sld [smem:$0x3FB0]  }
0x31: {  	[smem:$0x3FB9] =	sst s10  }
0x32: {  	s10 =	sld [smem:$0x3FB7];
	_ =	sdelay $0x3  }
0x33: {  	p0 =	seq.s32 s10, $0x1;
	s10 =	sld [smem:$0x3FB9];
	_ =	sdelay $0x3  }
0x34: {  	[smem:$0x3FB9] =	sst s10  }
0x35: {  	s10 =	sld [smem:$0x3FB8];
	_ =	sdelay $0x3  }
0x36: {  	p1 =	seq.s32 s10, $0x1;
	s10 =	sld [smem:$0x3FB9];
	_ =	sdelay $0x3  }
0x37: {  	[smem:$0x3FB9] =	sst s10  }
0x38: {  	s10 =	sld [smem:$0x3FBA]  }
0x39: {  	_ = 	snop;
	(pc) =	sbr.ind lr, $3  }
0x3a: {  	_ = 	snop  }
0x3b: {  	_ = 	snop  }
0x3c: {  	p2 =	seq.s32 s10, $0x1;
	s10 =	sld [smem:$0x3FB9]  }
0x3d: {  	_ =	shalt  }
0x3e: {  	_ =	shalt  }
0x3f: {  	_ =	shalt  }
0x40: {  	_ =	shalt  }
0x41: {  	_ =	shalt  }
0x42: {  	_ =	shalt  }
0x43: {  	_ =	shalt  }
0x44: {  	_ =	shalt  }
0x45: {  	_ =	shalt  }
0x46: {  	_ =	shalt  }
0x47: {  	_ =	shalt  }
0x48: {  	_ =	shalt  }
0x49: {  	_ =	shalt  }
0x4a: {  	_ =	shalt  }
0x4b: {  	_ =	shalt  }
0x4c: {  	_ =	shalt  }
0x4d: {  	_ =	shalt  }
0x4e: {  	_ =	shalt  }
0x4f: {  	_ =	shalt  }
0x50: {  	_ =	shalt  }
0x51: {  	_ =	shalt  }
0x52: {  	_ =	shalt  }
0x53: {  	_ =	shalt  }
0x54: {  	_ =	shalt  }
0x55: {  	_ =	shalt  }
0x56: {  	_ =	shalt  }
0x57: {  	_ =	shalt  }
0x58: {  	_ =	shalt  }
0x59: {  	_ =	shalt  }
0x5a: {  	_ =	shalt  }
0x5b: {  	_ =	shalt  }
0x5c: {  	_ =	shalt  }
0x5d: {  	_ =	shalt  }
0x5e: {  	_ =	shalt  }
0x5f: {  	_ =	shalt  }
0x60: {  	_ =	shalt  }
0x61: {  	_ =	shalt  }
0x62: {  	_ =	shalt  }
0x63: {  	_ =	shalt  }
0x64: {  	_ =	shalt  }
0x65: {  	_ =	shalt  }
0x66: {  	_ =	shalt  }
0x67: {  	_ =	shalt  }
0x68: {  	_ =	shalt  }
0x69: {  	_ =	shalt  }
0x6a: {  	_ =	shalt  }
0x6b: {  	_ =	shalt  }
0x6c: {  	_ =	shalt  }
0x6d: {  	_ =	shalt  }
0x6e: {  	_ =	shalt  }
0x6f: {  	_ =	shalt  }
0x70: {  	_ =	shalt  }
0x71: {  	_ =	shalt  }
0x72: {  	_ =	shalt  }
0x73: {  	_ =	shalt  }
0x74: {  	_ =	shalt  }
0x75: {  	_ =	shalt  }
0x76: {  	_ =	shalt  }
0x77: {  	_ =	shalt  }
0x78: {  	_ =	shalt  }
0x79: {  	_ =	shalt  }
0x7a: {  	_ =	shalt  }
0x7b: {  	_ =	shalt  }
0x7c: {  	_ =	shalt  }
0x7d: {  	_ =	shalt  }
0x7e: {  	_ =	shalt  }
0x7f: {  	_ =	shalt  }
0x80: {  	_ =	shalt  }
0x81: {  	_ =	shalt  }
0x82: {  	_ =	shalt  }
0x83: {  	_ =	shalt  }
0x84: {  	_ =	shalt  }
0x85: {  	_ =	shalt  }
0x86: {  	_ =	shalt  }
0x87: {  	_ =	shalt  }
.Lfunc_end0:
.L_simem_size_0:
called_computation_lowered:
.L_overlay_start_0:
0x88: {  	s2 =	sld [smem:$0x3FD9]  }
0x89: {  	s3 =	sld [smem:$0x3FFE];
	_ =	sdelay $0x1  }
0x8a: {  	s1 =	srdreg.scid  }
0x8b: {  	s0 =	sand.u32 $0x1, s1  }
0x8c: {  	s17 =	sshll.u32 s0, $0xA;
	s2 =	sadd.s32 s3, s2  }
0x8d: {  	s2 =	sadd.s32 s2, s17  }
0x8e: {  	[smem:$0x3FC5] =	sst s2  }
0x8f: {  	_ = 	snop  }
0x90: {  	s2 =	sld [smem:$0x3FC9]  }
0x91: {  	s18 =	sld [smem:$0x3FC8]  }
0x92: {  	s4 =	sld [smem:$0x3FD0];
	(tm) =	ssettm $0x1  }
0x93: {  	s5 =	sld [smem:$0x3FFB];
	_ =	sdelay $0x3  }
0x94: {  	_ =	strace s5  }
0x95: {  	s5 =	sld [smem:$0x3FFC];
	_ =	sdelay $0x3  }
0x96: {  	_ =	strace s5  }
0x97: {  	s5 =	sld [smem:$0x3FFD];
	_ =	sdelay $0x3  }
0x98: {  	_ =	strace s5  }
0x99: {  	_ =	strace $0x8FFFFFFF  }
0x9a: {  	s19 =	sld [smem:$0x3FDB];
	_ =	sdelay $0x1  }
0x9b: {  	s6 =	simm.s32 $_scs_section_size  }
0x9c: {  	s7 =	simm.s32 $_size__tile_overlayer_lowered;
	s8 =	simm.s32 $_tile_overlayer_lowered  }
0x9d: {  	s22 =	simm.s32 $0x1BFF;
	s21 =	sshll.u32 s8, $0x1;
	s5 =	sadd.s32 s6, s19  }
0x9e: {  	s9 =	simm.s32 $0x0;
	s20 =	sshll.u32 s7, $0x1;
	s7 =	sadd.s32 s21, s5  }
0x9f: {  	[timem:s9], [sflag:s22] =	dma.local [hbm:s7], s20  }
0xa0: {  	_ =	swait.ge [sflag:s22], s20  }
0xa1: {  	s6 =	ssub.s32 $0x0, s20;
	[sflag:s22] =	ssyncset.done $0x0  }
0xa2: {  	[sflag:s22] =	ssyncadd.s32 s6;
	_ =	sdelay $0x1  }
0xa3: {  	s23 =	simm.s32 $0x1B8B  }
0xa4: {  	_ =	swait.ge [sflag:s23], $0x1  }
0xa5: {  	[sflag:s23] =	ssyncset.done $0x0  }
0xa6: {  	s25 =	simm.s32 $0x1B8E;
	s24 =	sld [smem:$0x3FFE];
	[sflag:s23] =	ssyncadd.s32 $0xFFFFFFFF  }
0xa7: {  	s26 =	simm.s32 $execute0_lowered;
	[smem:$0x3FD2] =	sst s25  }
0xa8: {  	s7 =	sshll.u32 s26, $0x1;
	_ =	strace $0x80000046;
	[dreg:$0x1] =	wrdreg $0xFFFFFFFF  }
0xa9: {  	s28 =	simm.s32 $_size_execute0_lowered;
	s5 =	sadd.s32 s5, s7;
	[dreg:$0x0] =	wrdreg $0x0  }
0xaa: {  	s7 =	sshll.u32 s28, $0x1;
	[dreg:$0x2] =	wrdreg s5  }
0xab: {  	[dreg:$0x3] =	wrdreg s7  }
0xac: {  	[dreg:$0x4] =	wrdreg $0xC0  }
0xad: {  	_ =	task [dreg:s9], $0x5FFFF  }
0xae: {  	[dreg:$0x1] =	wrdreg $0xFFFFFFFF  }
0xaf: {  	[dreg:$0x0] =	wrdreg $0x60  }
0xb0: {  	[dreg:$0x2] =	wrdreg s2  }
0xb1: {  	[dreg:$0x3] =	wrdreg s18  }
0xb2: {  	[dreg:$0x4] =	wrdreg s24  }
0xb3: {  	[dreg:$0x5] =	wrdreg s4  }
0xb4: {  	[dreg:$0x6] =	wrdreg $0x9  }
0xb5: {  	_ =	task.clear_ibuf [dreg:s9], $0x7FFFF;
	_ =	strace $0x90000046  }
0xb6: {  	s29 =	simm.s32 $0x9;
	_ =	strace $0x80000048  }
0xb7: {  	_ =	swait.ge [sflag:s29], $0x1  }
0xb8: {  	[sflag:s29] =	ssyncadd.s32 $0xFFFFFFFF  }
0xb9: {  	_ =	strace $0x90000048  }
0xba: {  	_ =	sfence  }
0xbb: {  	s30 =	sld [smem:$0x0];
	_ =	sdelay $0x2  }
0xbc: {  	s31 =	sshll.u32 s1, $0xD;
	s1 =	sshrl.u32 s1, $0x2  }
0xbd: {  	s3 =	sand.u32 $0x4000, s31;
	s1 =	sadd.s32 s1, s30  }
0xbe: {  	s0 =	sor.u32 s3, s0;
	s1 =	sshll.u32 s1, $0x11  }
0xbf: {  	s0 =	sor.u32 s1, s0  }
0xc0: {  	s0 =	sadd.s32 $0x8F2B, s0  }
0xc1: {  	[sflag:s0] =	ssyncadd.remote.s32 $0x1  }
0xc2: {  	_ =	sfence.sel $0xFFFF  }
0xc3: {  	[dreg:$0x0] =	wrdreg $0xFFFFFFFF;
	(pc) =	sbr.abs _section_cstart, $3  }
0xc4: {  	[dreg:$0x1] =	wrdreg $0xFFFFFFFF  }
0xc5: {  	_ =	task.clear_ibuf [dreg:s9], $0x2FFFF;
	_ =	strace $0x9FFFFFFF  }
0xc6: {  	(tm) =	ssettm $0x7FFFFFFF  }
0xc7: {  	_ =	shalt  }
tec
execute0_lowered:
.L_overlay_start_1:
0x0: {  	(tag) =	ssettag $0x1  }
0x1: {  	v0 =	vimm.s32 $0xFEDCBA98;
	v1 =	vimm.s32 $0x76543210  }
0x2: {  	s4 =	rddreg [dreg:$0x0];
	v2 =	vimm.s32 $0xBA98FEDC;
	v3 =	vimm.s32 $0x32107654;
	v4 =	vimm.s32 $0xDCFE98BA  }
0x3: {  	s5 =	rddreg [dreg:$0x1];
	v5 =	vimm.s32 $0x54761032;
	v6 =	vimm.s32 $0xEFCDAB89;
	v7 =	vimm.s32 $0x67452301  }
0x4: {  	s3 =	rddreg [dreg:$0x2];
	vm0 =	vmmov $0x1;
	vm1 =	vmmov $0x3;
	vm2 =	vmmov $0x7  }
0x5: {  	s6 =	rddreg [dreg:$0x3];
	s1 =	simm.s32 $0x0;
	s7 =	srdreg.scid;
	vm3 =	vmmov $0xf;
	vm4 =	vmmov $0x1f;
	vm5 =	vmmov $0x3f  }
0x6: {  	s2 =	stileid.u32;
	s11 =	simm.s32 $0x400;
	s12 =	simm.s32 $0x800;
	vm6 =	vmmov $0x7f;
	vm7 =	vmmov $0xff;
	vm8 =	vmmov $0x1ff  }
0x7: {  	s13 =	simm.s32 $0x600;
	s14 =	simm.s32 $0x8800;
	s15 =	simm.s32 $0x480;
	vm9 =	vmmov $0x3ff;
	vm10 =	vmmov $0x7ff;
	vm11 =	vmmov $0xfff  }
0x8: {  	s16 =	simm.s32 $0x4800;
	s17 =	simm.s32 $0x680;
	s18 =	simm.s32 $0xC800;
	v0 =	vunpack.c.l.s4.s8 v0;
	v1 =	vunpack.c.l.s4.s8 v1;
	v2 =	vunpack.c.l.s4.s8 v2  }
0x9: {  	s19 =	simm.s32 $0x1;
	s20 =	simm.s32 $0x500;
	s21 =	simm.s32 $0x700;
	v3 =	vunpack.c.l.s4.s8 v3;
	v4 =	vunpack.c.l.s4.s8 v4;
	v5 =	vunpack.c.l.s4.s8 v5  }
0xa: {  	s22 =	simm.s32 $0x580;
	s23 =	simm.s32 $0x780;
	s24 =	simm.s32 $0x10800;
	v6 =	vunpack.c.l.s4.s8 v6;
	v7 =	vunpack.c.l.s4.s8 v7;
	v0 =	vunpack.c.0.s8.s32 v0  }
0xb: {  	s25 =	simm.s32 $0x0;
	[smem:$0x7FF] =	sst s1;
	s7 =	sand.u32 $0x1, s7;
	v2 =	vunpack.c.0.s8.s32 v2;
	v3 =	vunpack.c.0.s8.s32 v3;
	v4 =	vunpack.c.0.s8.s32 v4  }
0xc: {  	s9 =	sshll.u32 s2, $0x7;
	s3 =	sadd.s32 $0x400, s3;
	s8 =	ssub.s32 $0x2, s7;
	v5 =	vunpack.c.0.s8.s32 v5;
	v6 =	vunpack.c.0.s8.s32 v6;
	v7 =	vunpack.c.0.s8.s32 v7  }
0xd: {  	vm12 =	vmmov $0x1fff;
	s7 =	sshll.u32 s7, $0x6;
	_ =	strace $0x80000047;
	s10 =	sshrl.u32 s8, $0x1;
	v1 =	vunpack.c.0.s8.s32 v1;
	v2 =	vcombine.low v3, v2  }
0xe: {  	s7 =	sor.u32 s7, s9;
	s9 =	simm.s32 $0x200;
	s8 =	ssub.s32 s8, s10;
	v3 =	vcombine.low v5, v4;
	v4 =	vcombine.low v7, v6;
	v0 =	vand.u32 $0xF, v0  }
0xf: {  	vm13 =	vmmov $0x3fff;
	vm14 =	vmmov $0x7fff;
	s4 =	sadd.s32 s4, s7;
	s5 =	sadd.s32 s5, s7;
	s6 =	sadd.s32 s6, s7;
	v0 =	vcombine.low v0, v1  }
0x10: {  	s10 =	simm.s32 $0x80;
	s7 =	smax.u32 s8, $0x1;
	s8 =	simm.s32 $0x2;
	v1 =	vand.u32 $0xF, v2;
	v2 =	vand.u32 $0xF, v3;
	v3 =	vand.u32 $0xF, v4  }
.LBB2_1:
0x11: {  	[tilespmem:s1], [sflag:$0x2] =	stream.linear.gather [hbm4b:s4+s1], $0x200, $0x38;
	[tilespmem:$0x10A00] =	vst v63  }
0x12: {  	_ =	swait.ge [sflag:s8], $0x200  }
0x13: {  	[sflag:s8] =	ssyncset.done $0x0  }
0x14: {  	[sflag:s8] =	ssyncadd.s32 $0xFFFFFE00  }
0x15: {  	[tilespmem:s9], [sflag:$0x2] =	stream.linear.gather [hbm4b:s5+s1], $0x200, $0x38;
	[tilespmem:$0x10A00] =	vst v63  }
0x16: {  	_ =	swait.ge [sflag:s8], $0x200  }
0x17: {  	[sflag:s8] =	ssyncset.done $0x0  }
0x18: {  	s26 =	simm.s32 $0x0;
	[sflag:s8] =	ssyncadd.s32 $0xFFFFFE00  }
0x19: {  	v4 =	vld [tilespmem:s26+$0x200]  }
0x1a: {  	s28 =	simm.s32 $0x40;
	v5 =	vld [tilespmem:s26+$0x0]  }
.LBB2_2:
0x1b: {  	p0 =	sne.s32 s28, $0x7C0  }
.Ltmp0:
0x1c: {  	_ = 	snop;
	(pc) =	sbr.rel @p0 .LBB2_2-.Ltmp0, $4  }
0x1d: {  	_ = 	snop  }
0x1e: {  	s29 =	sshra.s32 s28, $0x2;
	s28 =	sadd.s32 $0x40, s28;
	v6 =	vshrl.u32 v4, $0x3  }
0x1f: {  	v4 =	vld [tilespmem:s29+$0x200];
	v7 =	vshrl.u32 v5, $0x3;
	[tilespmem:s26+$0x600] =	vst v6  }
0x20: {  	v5 =	vld [tilespmem:s29+$0x0];
	[tilespmem:s26+$0x400] =	vst v7;
	s26 =	smov.u32 s29  }
0x21: {  	_ =	sdelay $0x2  }
0x22: {  	v4 =	vshrl.u32 v4, $0x3  }
0x23: {  	v5 =	vshrl.u32 v5, $0x3;
	[tilespmem:s26+$0x600] =	vst v4  }
0x24: {  	[tilespmem:s26+$0x400] =	vst v5  }
0x25: {  	[tilespmem:s12], [sflag:$0x1] =	stream.indirect.gather [hbm4b:s3+s10], $0x80, s11, s10, $0xb8;
	[tilespmem:$0x10A00] =	vst v63  }
0x26: {  	_ = 	snop  }
0x27: {  	[tilespmem:s14], [sflag:$0x1] =	stream.indirect.gather [hbm4b:s3+s10], $0x80, s13, s10, $0xb8;
	[tilespmem:$0x10A00] =	vst v63  }
0x28: {  	_ = 	snop  }
0x29: {  	[tilespmem:s16], [sflag:$0x1] =	stream.indirect.gather [hbm4b:s3+s10], $0x80, s15, s10, $0xb8;
	[tilespmem:$0x10A00] =	vst v63  }
0x2a: {  	_ = 	snop  }
0x2b: {  	[tilespmem:s18], [sflag:$0x1] =	stream.indirect.gather [hbm4b:s3+s10], $0x80, s17, s10, $0xb8;
	[tilespmem:$0x10A00] =	vst v63  }
0x2c: {  	_ =	swait.ge [sflag:s19], $0x4000  }
0x2d: {  	[sflag:s19] =	ssyncset.done $0x0  }
0x2e: {  	[sflag:s19] =	ssyncadd.s32 $0xFFFFC000  }
0x2f: {  	_ =	swait.ge [sflag:s19], $0x4000  }
0x30: {  	[sflag:s19] =	ssyncset.done $0x0  }
0x31: {  	[sflag:s19] =	ssyncadd.s32 $0xFFFFC000  }
0x32: {  	_ =	swait.ge [sflag:s19], $0x4000  }
0x33: {  	[sflag:s19] =	ssyncset.done $0x0  }
0x34: {  	[sflag:s19] =	ssyncadd.s32 $0xFFFFC000  }
0x35: {  	_ =	swait.ge [sflag:s19], $0x4000  }
0x36: {  	s28 =	simm.s32 $0x200;
	s29 =	simm.s32 $0x10800;
	[sflag:s19] =	ssyncset.done $0x0  }
0x37: {  	s30 =	simm.s32 $0x0;
	s26 =	simm.s32 $0x0;
	[sflag:s19] =	ssyncadd.s32 $0xFFFFC000  }
.LBB2_4:
0x38: {  	v4 =	vld [tilespmem:s26+$0x0]  }
0x39: {  	v5 =	vld [tilespmem:s28+$0x0];
	_ =	sdelay $0x3  }
0x3a: {  	v4 =	vand.u32 $0x7, v4  }
0x3b: {  	s31 =	sshra.s32 s30, $0x2;
	v5 =	vand.u32 $0x7, v5;
	v4 =	vshll.u32 v4, $0x4  }
0x3c: {  	v5 =	vshll.u32 v5, $0x4;
	v4 =	vadd.s32 s31, v4  }
0x3d: {  	v5 =	vadd.s32 s31, v5;
	(v2sf) =	vpush v4, $0x0  }
0x3e: {  	(v2sf) =	vpush v5, $0x0  }
0x3f: {  	(v2sf) =	vpush v4, $0x1  }
0x40: {  	(v2sf) =	vpush v5, $0x1  }
0x41: {  	(v2sf) =	vpush v4, $0x2  }
0x42: {  	(v2sf) =	vpush v5, $0x2  }
0x43: {  	(v2sf) =	vpush v4, $0x3  }
0x44: {  	(v2sf) =	vpush v5, $0x3;
	_ =	sdelay $0x7  }
0x45: {  	s0 =	spop (v2sf)  }
0x46: {  	(v2sf) =	vpush v4, $0x4;
	v6 =	vld [tilespmem:s0+$0x800];
	s0 =	spop (v2sf)  }
0x47: {  	(v2sf) =	vpush v5, $0x4;
	v7 =	vld [tilespmem:s0+$0x8800];
	s0 =	spop (v2sf)  }
0x48: {  	(v2sf) =	vpush v4, $0x5;
	v8 =	vld [tilespmem:s0+$0x880];
	s0 =	spop (v2sf)  }
0x49: {  	(v2sf) =	vpush v5, $0x5;
	v9 =	vld [tilespmem:s0+$0x8880];
	s0 =	spop (v2sf)  }
0x4a: {  	(v2sf) =	vpush v4, $0x6;
	v10 =	vld [tilespmem:s0+$0x900];
	s0 =	spop (v2sf)  }
0x4b: {  	(v2sf) =	vpush v5, $0x6;
	v11 =	vld [tilespmem:s0+$0x8900];
	s0 =	spop (v2sf)  }
0x4c: {  	(v2sf) =	vpush v4, $0x7;
	v12 =	vld [tilespmem:s0+$0x980];
	s0 =	spop (v2sf)  }
0x4d: {  	v6 =	vmul.f32 v7, v6;
	(v2sf) =	vpush v5, $0x7;
	v13 =	vld [tilespmem:s0+$0x8980]  }
0x4e: {  	(v2sf) =	vpush v4, $0x8  }
0x4f: {  	v14 =	vmul.f32 v9, v8;
	v15 =	vperm.xlane v6, v0;
	(v2sf) =	vpush v5, $0x8  }
0x50: {  	(v2sf) =	vpush v4, $0x9;
	v16 =	vmul.f32 v11, v10  }
0x51: {  	v17 =	vperm.xlane v14, v0;
	v6 =	vadd.f32 v15, v6;
	(v2sf) =	vpush v5, $0x9  }
0x52: {  	v18 =	vmul.f32 v13, v12;
	v19 =	vperm.xlane v16, v0  }
0x53: {  	v7 =	vadd.f32 v17, v14;
	v21 =	vperm.xlane v6, v1  }
0x54: {  	v20 =	vperm.xlane v18, v0;
	v8 =	vadd.f32 v19, v16  }
0x55: {  	v22 =	vperm.xlane v7, v1;
	v6 =	vadd.f32 v21, v6;
	s0 =	spop (v2sf);
	(v2sf) =	vpush v4, $0xA  }
0x56: {  	v25 =	vld [tilespmem:s0+$0xA00];
	s0 =	spop (v2sf);
	(v2sf) =	vpush v5, $0xA;
	v10 =	vadd.f32 v20, v18;
	v23 =	vperm.xlane v8, v1  }
0x57: {  	v7 =	vadd.f32 v22, v7;
	v26 =	vperm.xlane v6, v2;
	v27 =	vld [tilespmem:s0+$0x8A00];
	s0 =	spop (v2sf);
	(v2sf) =	vpush v4, $0xB  }
0x58: {  	v28 =	vld [tilespmem:s0+$0xA80];
	s0 =	spop (v2sf);
	(v2sf) =	vpush v5, $0xB;
	v24 =	vperm.xlane v10, v1;
	v8 =	vadd.f32 v23, v8  }
0x59: {  	v14 =	vperm.xlane v7, v2;
	v6 =	vadd.f32 v26, v6;
	v15 =	vld [tilespmem:s0+$0x8A80];
	s0 =	spop (v2sf);
	(v2sf) =	vpush v4, $0xC  }
0x5a: {  	v16 =	vld [tilespmem:s0+$0xB00];
	s0 =	spop (v2sf);
	(v2sf) =	vpush v5, $0xC;
	v9 =	vadd.f32 v24, v10;
	v29 =	vperm.xlane v8, v2  }
0x5b: {  	v7 =	vadd.f32 v14, v7;
	v17 =	vperm.xlane v6, v3;
	v31 =	vld [tilespmem:s0+$0x8B00];
	s0 =	spop (v2sf);
	(v2sf) =	vpush v4, $0xD  }
0x5c: {  	v32 =	vld [tilespmem:s0+$0xB80];
	s0 =	spop (v2sf);
	v11 =	vmul.f32 v27, v25;
	(v2sf) =	vpush v5, $0xD;
	v30 =	vperm.xlane v9, v2  }
0x5d: {  	v8 =	vadd.f32 v29, v8;
	v18 =	vperm.xlane v7, v3;
	v6 =	vadd.f32 v17, v6;
	v19 =	vld [tilespmem:s0+$0x8B80];
	s0 =	spop (v2sf)  }
0x5e: {  	(v2sf) =	vpush v4, $0xE;
	v20 =	vld [tilespmem:s0+$0xC00];
	s0 =	spop (v2sf);
	v38 =	vperm.xlane v11, v0;
	v40 =	vmul.f32 v15, v28  }
0x5f: {  	(v2sf) =	vpush v5, $0xE;
	v9 =	vadd.f32 v30, v9;
	v33 =	vperm.xlane v8, v3;
	v35 =	vld [tilespmem:s0+$0x8C00];
	s0 =	spop (v2sf)  }
0x60: {  	v7 =	vadd.f32 v18, v7;
	(v2sf) =	vpush v4, $0xF;
	v37 =	vld [tilespmem:s0+$0xC80];
	s0 =	spop (v2sf);
	v41 =	vmul.f32 v31, v16  }
0x61: {  	v42 =	vperm.xlane v40, v0;
	(v2sf) =	vpush v5, $0xF;
	v34 =	vperm.xlane v9, v3;
	v39 =	vld [tilespmem:s0+$0x8C80]  }
0x62: {  	v8 =	vadd.f32 v33, v8;
	v6 =	vsel vm0, v6, v7;
	v43 =	vmul.f32 v19, v32  }
0x63: {  	v4 =	vperm.xlane v41, v0;
	v5 =	vadd.f32 v42, v40;
	v36 =	vadd.f32 v34, v9  }
0x64: {  	v6 =	vsel vm1, v6, v8;
	v8 =	vadd.f32 v38, v11;
	v12 =	vmul.f32 v35, v20  }
0x65: {  	v44 =	vperm.xlane v43, v0;
	v4 =	vadd.f32 v4, v41;
	v47 =	vperm.xlane v5, v1;
	s31 =	spop (v2sf)  }
0x66: {  	v6 =	vsel vm2, v6, v36;
	v45 =	vperm.xlane v8, v1;
	s0 =	spop (v2sf);
	v51 =	vld [tilespmem:s31+$0xD00];
	v9 =	vmul.f32 v39, v37  }
0x67: {  	v46 =	vperm.xlane v12, v0;
	v7 =	vadd.f32 v44, v43;
	v49 =	vperm.xlane v4, v1;
	v54 =	vld [tilespmem:s0+$0x8D00]  }
0x68: {  	v5 =	vadd.f32 v47, v5;
	s31 =	spop (v2sf);
	v8 =	vadd.f32 v45, v8;
	v48 =	vperm.xlane v9, v0  }
0x69: {  	s0 =	spop (v2sf);
	v57 =	vld [tilespmem:s31+$0xD80];
	v10 =	vadd.f32 v46, v12;
	v50 =	vperm.xlane v7, v1;
	v4 =	vadd.f32 v49, v4  }
0x6a: {  	v55 =	vperm.xlane v5, v2;
	v59 =	vld [tilespmem:s0+$0x8D80];
	v52 =	vperm.xlane v8, v2;
	v9 =	vadd.f32 v48, v9  }
0x6b: {  	v53 =	vperm.xlane v10, v1;
	v7 =	vadd.f32 v50, v7;
	v58 =	vperm.xlane v4, v2  }
0x6c: {  	s31 =	spop (v2sf);
	v5 =	vadd.f32 v55, v5;
	v8 =	vadd.f32 v52, v8;
	v36 =	vmul.f32 v54, v51  }
0x6d: {  	s0 =	spop (v2sf);
	v61 =	vld [tilespmem:s31+$0xE00];
	v56 =	vperm.xlane v9, v1;
	v10 =	vadd.f32 v53, v10;
	v60 =	vperm.xlane v7, v2  }
0x6e: {  	s31 =	spop (v2sf);
	v24 =	vld [tilespmem:s0+$0x8E00];
	v25 =	vperm.xlane v5, v3;
	v62 =	vperm.xlane v8, v3  }
0x6f: {  	s0 =	spop (v2sf);
	v21 =	vld [tilespmem:s31+$0xE80];
	v4 =	vadd.f32 v58, v4;
	v39 =	vmul.f32 v59, v57;
	v63 =	vperm.xlane v10, v2  }
0x70: {  	s31 =	spop (v2sf);
	v28 =	vld [tilespmem:s0+$0x8E80];
	v40 =	vperm.xlane v36, v0;
	v9 =	vadd.f32 v56, v9;
	v7 =	vadd.f32 v60, v7  }
0x71: {  	s0 =	spop (v2sf);
	v30 =	vld [tilespmem:s31+$0xF00];
	v27 =	vperm.xlane v4, v3;
	v8 =	vadd.f32 v62, v8;
	v10 =	vadd.f32 v63, v10  }
0x72: {  	v5 =	vadd.f32 v25, v5;
	v32 =	vld [tilespmem:s0+$0x8F00];
	v11 =	vperm.xlane v39, v0;
	v29 =	vperm.xlane v7, v3  }
0x73: {  	s31 =	spop (v2sf);
	v4 =	vadd.f32 v27, v4;
	v6 =	vsel vm3, v6, v8;
	v31 =	vperm.xlane v10, v3  }
0x74: {  	v35 =	vld [tilespmem:s31+$0xF80];
	s31 =	spop (v2sf);
	v26 =	vperm.xlane v9, v2;
	v5 =	vsel vm4, v6, v5;
	v33 =	vadd.f32 v29, v7  }
0x75: {  	v37 =	vld [tilespmem:s31+$0x8F80];
	v41 =	vmul.f32 v28, v21;
	v4 =	vsel vm5, v5, v4;
	v5 =	vadd.f32 v31, v10  }
0x76: {  	v8 =	vadd.f32 v40, v36;
	v9 =	vadd.f32 v26, v9;
	v4 =	vsel vm6, v4, v33  }
0x77: {  	v43 =	vmul.f32 v32, v30;
	v4 =	vsel vm7, v4, v5;
	v5 =	vmul.f32 v24, v61  }
0x78: {  	v7 =	vadd.f32 v11, v39;
	v44 =	vperm.xlane v41, v0;
	v45 =	vperm.xlane v8, v1  }
0x79: {  	v34 =	vperm.xlane v9, v3;
	v42 =	vperm.xlane v5, v0  }
0x7a: {  	v47 =	vperm.xlane v7, v1;
	v10 =	vmul.f32 v37, v35  }
0x7b: {  	v46 =	vperm.xlane v43, v0;
	v6 =	vadd.f32 v44, v41;
	v5 =	vadd.f32 v42, v5  }
0x7c: {  	v8 =	vadd.f32 v45, v8;
	v38 =	vadd.f32 v34, v9;
	v48 =	vperm.xlane v10, v0  }
0x7d: {  	v7 =	vadd.f32 v47, v7;
	v9 =	vadd.f32 v46, v43;
	v49 =	vperm.xlane v5, v1  }
0x7e: {  	v50 =	vperm.xlane v6, v1;
	v51 =	vperm.xlane v8, v2;
	v10 =	vadd.f32 v48, v10  }
0x7f: {  	v4 =	vsel vm8, v4, v38;
	v52 =	vperm.xlane v9, v1;
	v5 =	vadd.f32 v49, v5  }
0x80: {  	v14 =	vperm.xlane v7, v2;
	v6 =	vadd.f32 v50, v6;
	v53 =	vperm.xlane v10, v1  }
0x81: {  	v8 =	vadd.f32 v51, v8;
	v9 =	vadd.f32 v52, v9;
	v54 =	vperm.xlane v5, v2  }
0x82: {  	v7 =	vadd.f32 v14, v7;
	v55 =	vperm.xlane v6, v2;
	v10 =	vadd.f32 v53, v10  }
0x83: {  	v56 =	vperm.xlane v8, v3;
	v57 =	vperm.xlane v9, v2;
	v5 =	vadd.f32 v54, v5  }
0x84: {  	v14 =	vperm.xlane v7, v3;
	v6 =	vadd.f32 v55, v6;
	v58 =	vperm.xlane v10, v2  }
0x85: {  	v8 =	vadd.f32 v56, v8;
	v9 =	vadd.f32 v57, v9;
	v59 =	vperm.xlane v5, v3  }
0x86: {  	v7 =	vadd.f32 v14, v7;
	v60 =	vperm.xlane v6, v3;
	v10 =	vadd.f32 v58, v10  }
0x87: {  	v4 =	vsel vm9, v4, v8;
	v61 =	vperm.xlane v9, v3;
	v5 =	vadd.f32 v59, v5  }
0x88: {  	v4 =	vsel vm10, v4, v7;
	v6 =	vadd.f32 v60, v6;
	v62 =	vperm.xlane v10, v3  }
0x89: {  	v4 =	vsel vm11, v4, v5;
	v5 =	vadd.f32 v61, v9  }
0x8a: {  	v63 =	vadd.f32 v62, v10;
	v4 =	vsel vm12, v4, v6  }
0x8b: {  	v4 =	vsel vm13, v4, v5  }
0x8c: {  	v4 =	vsel vm14, v4, v63  }
0x8d: {  	v4 =	vsub.f32 $0.0e+00, v4;
	_ =	sdelay $0x1  }
0x8e: {  	v4 =	vmul.f32 $1.442695020e+00, v4;
	_ =	sdelay $0x1  }
0x8f: {  	(erf) = vpow2.f32 v4;
	_ =	sdelay $0x8  }
0x90: {  	v4 =	vpop (erf)  }
0x91: {  	v4 =	vadd.f32 $1.000000000e+00, v4;
	_ =	sdelay $0x1  }
0x92: {  	(erf) = vrcp.f32 v4;
	_ =	sdelay $0x4  }
0x93: {  	p0 =	sne.s32 s30, $0x1E000  }
.Ltmp1:
0x94: {  	_ = 	snop;
	(pc) =	sbr.rel @p0 .LBB2_4-.Ltmp1, $3  }
0x95: {  	_ =	sdelay $0x1  }
0x96: {  	s26 =	sadd.s32 $0x10, s26;
	v4 =	vpop (erf)  }
0x97: {  	s28 =	sadd.s32 $0x10, s28;
	s30 =	sadd.s32 $0x2000, s30;
	[tilespmem:s29+$0x0] =	vst v4;
	s29 =	sadd.s32 $0x10, s29  }
0x98: {  	[tilespmem:s12], [sflag:$0x1] =	stream.indirect.gather [hbm4b:s3+s10], $0x80, s20, s10, $0xb8;
	[tilespmem:$0x10A00] =	vst v63  }
0x99: {  	_ = 	snop  }
0x9a: {  	[tilespmem:s14], [sflag:$0x1] =	stream.indirect.gather [hbm4b:s3+s10], $0x80, s21, s10, $0xb8;
	[tilespmem:$0x10A00] =	vst v63  }
0x9b: {  	_ = 	snop  }
0x9c: {  	[tilespmem:s16], [sflag:$0x1] =	stream.indirect.gather [hbm4b:s3+s10], $0x80, s22, s10, $0xb8;
	[tilespmem:$0x10A00] =	vst v63  }
0x9d: {  	_ = 	snop  }
0x9e: {  	[tilespmem:s18], [sflag:$0x1] =	stream.indirect.gather [hbm4b:s3+s10], $0x80, s23, s10, $0xb8;
	[tilespmem:$0x10A00] =	vst v63  }
0x9f: {  	_ =	swait.ge [sflag:s19], $0x4000  }
0xa0: {  	[sflag:s19] =	ssyncset.done $0x0  }
0xa1: {  	[sflag:s19] =	ssyncadd.s32 $0xFFFFC000  }
0xa2: {  	_ =	swait.ge [sflag:s19], $0x4000  }
0xa3: {  	[sflag:s19] =	ssyncset.done $0x0  }
0xa4: {  	[sflag:s19] =	ssyncadd.s32 $0xFFFFC000  }
0xa5: {  	_ =	swait.ge [sflag:s19], $0x4000  }
0xa6: {  	[sflag:s19] =	ssyncset.done $0x0  }
0xa7: {  	[sflag:s19] =	ssyncadd.s32 $0xFFFFC000  }
0xa8: {  	_ =	swait.ge [sflag:s19], $0x4000  }
0xa9: {  	s26 =	simm.s32 $0x0;
	s28 =	simm.s32 $0x100;
	[sflag:s19] =	ssyncset.done $0x0  }
0xaa: {  	s29 =	simm.s32 $0x300;
	s30 =	simm.s32 $0x10900;
	[sflag:s19] =	ssyncadd.s32 $0xFFFFC000  }
.LBB2_6:
0xab: {  	v4 =	vld [tilespmem:s28+$0x0]  }
0xac: {  	v5 =	vld [tilespmem:s29+$0x0];
	_ =	sdelay $0x3  }
0xad: {  	v4 =	vand.u32 $0x7, v4  }
0xae: {  	s0 =	sshra.s32 s26, $0x2;
	v5 =	vand.u32 $0x7, v5;
	v4 =	vshll.u32 v4, $0x4  }
0xaf: {  	v5 =	vshll.u32 v5, $0x4;
	v4 =	vadd.s32 s0, v4  }
0xb0: {  	v5 =	vadd.s32 s0, v5;
	(v2sf) =	vpush v4, $0x0  }
0xb1: {  	(v2sf) =	vpush v5, $0x0  }
0xb2: {  	(v2sf) =	vpush v4, $0x1  }
0xb3: {  	(v2sf) =	vpush v5, $0x1  }
0xb4: {  	(v2sf) =	vpush v4, $0x2  }
0xb5: {  	(v2sf) =	vpush v5, $0x2  }
0xb6: {  	(v2sf) =	vpush v4, $0x3  }
0xb7: {  	(v2sf) =	vpush v5, $0x3;
	_ =	sdelay $0x7  }
0xb8: {  	s31 =	spop (v2sf)  }
0xb9: {  	(v2sf) =	vpush v4, $0x4;
	v6 =	vld [tilespmem:s31+$0x800];
	s31 =	spop (v2sf)  }
0xba: {  	(v2sf) =	vpush v5, $0x4;
	v7 =	vld [tilespmem:s31+$0x8800];
	s31 =	spop (v2sf)  }
0xbb: {  	(v2sf) =	vpush v4, $0x5;
	v8 =	vld [tilespmem:s31+$0x880];
	s31 =	spop (v2sf)  }
0xbc: {  	(v2sf) =	vpush v5, $0x5;
	v9 =	vld [tilespmem:s31+$0x8880];
	s31 =	spop (v2sf)  }
0xbd: {  	(v2sf) =	vpush v4, $0x6;
	v10 =	vld [tilespmem:s31+$0x900];
	s31 =	spop (v2sf)  }
0xbe: {  	(v2sf) =	vpush v5, $0x6;
	v11 =	vld [tilespmem:s31+$0x8900];
	s31 =	spop (v2sf)  }
0xbf: {  	(v2sf) =	vpush v4, $0x7;
	v12 =	vld [tilespmem:s31+$0x980];
	s31 =	spop (v2sf)  }
0xc0: {  	v6 =	vmul.f32 v7, v6;
	(v2sf) =	vpush v5, $0x7;
	v13 =	vld [tilespmem:s31+$0x8980]  }
0xc1: {  	(v2sf) =	vpush v4, $0x8  }
0xc2: {  	v14 =	vmul.f32 v9, v8;
	v15 =	vperm.xlane v6, v0;
	(v2sf) =	vpush v5, $0x8  }
0xc3: {  	(v2sf) =	vpush v4, $0x9;
	v16 =	vmul.f32 v11, v10  }
0xc4: {  	v17 =	vperm.xlane v14, v0;
	v6 =	vadd.f32 v15, v6;
	(v2sf) =	vpush v5, $0x9  }
0xc5: {  	v18 =	vmul.f32 v13, v12;
	v19 =	vperm.xlane v16, v0  }
0xc6: {  	v7 =	vadd.f32 v17, v14;
	v21 =	vperm.xlane v6, v1  }
0xc7: {  	v20 =	vperm.xlane v18, v0;
	v8 =	vadd.f32 v19, v16  }
0xc8: {  	v22 =	vperm.xlane v7, v1;
	v6 =	vadd.f32 v21, v6;
	s31 =	spop (v2sf);
	(v2sf) =	vpush v4, $0xA  }
0xc9: {  	v25 =	vld [tilespmem:s31+$0xA00];
	s31 =	spop (v2sf);
	(v2sf) =	vpush v5, $0xA;
	v10 =	vadd.f32 v20, v18;
	v23 =	vperm.xlane v8, v1  }
0xca: {  	v7 =	vadd.f32 v22, v7;
	v26 =	vperm.xlane v6, v2;
	v27 =	vld [tilespmem:s31+$0x8A00];
	s31 =	spop (v2sf);
	(v2sf) =	vpush v4, $0xB  }
0xcb: {  	v28 =	vld [tilespmem:s31+$0xA80];
	s31 =	spop (v2sf);
	(v2sf) =	vpush v5, $0xB;
	v24 =	vperm.xlane v10, v1;
	v8 =	vadd.f32 v23, v8  }
0xcc: {  	v14 =	vperm.xlane v7, v2;
	v6 =	vadd.f32 v26, v6;
	v15 =	vld [tilespmem:s31+$0x8A80];
	s31 =	spop (v2sf);
	(v2sf) =	vpush v4, $0xC  }
0xcd: {  	v16 =	vld [tilespmem:s31+$0xB00];
	s31 =	spop (v2sf);
	(v2sf) =	vpush v5, $0xC;
	v9 =	vadd.f32 v24, v10;
	v29 =	vperm.xlane v8, v2  }
0xce: {  	v7 =	vadd.f32 v14, v7;
	v17 =	vperm.xlane v6, v3;
	v31 =	vld [tilespmem:s31+$0x8B00];
	s31 =	spop (v2sf);
	(v2sf) =	vpush v4, $0xD  }
0xcf: {  	v32 =	vld [tilespmem:s31+$0xB80];
	s31 =	spop (v2sf);
	v11 =	vmul.f32 v27, v25;
	(v2sf) =	vpush v5, $0xD;
	v30 =	vperm.xlane v9, v2  }
0xd0: {  	v8 =	vadd.f32 v29, v8;
	v18 =	vperm.xlane v7, v3;
	v6 =	vadd.f32 v17, v6;
	v19 =	vld [tilespmem:s31+$0x8B80];
	s31 =	spop (v2sf)  }
0xd1: {  	(v2sf) =	vpush v4, $0xE;
	v20 =	vld [tilespmem:s31+$0xC00];
	s31 =	spop (v2sf);
	v38 =	vperm.xlane v11, v0;
	v40 =	vmul.f32 v15, v28  }
0xd2: {  	(v2sf) =	vpush v5, $0xE;
	v9 =	vadd.f32 v30, v9;
	v33 =	vperm.xlane v8, v3;
	v35 =	vld [tilespmem:s31+$0x8C00];
	s31 =	spop (v2sf)  }
0xd3: {  	v7 =	vadd.f32 v18, v7;
	(v2sf) =	vpush v4, $0xF;
	v37 =	vld [tilespmem:s31+$0xC80];
	s31 =	spop (v2sf);
	v41 =	vmul.f32 v31, v16  }
0xd4: {  	v42 =	vperm.xlane v40, v0;
	(v2sf) =	vpush v5, $0xF;
	v34 =	vperm.xlane v9, v3;
	v39 =	vld [tilespmem:s31+$0x8C80]  }
0xd5: {  	v8 =	vadd.f32 v33, v8;
	v6 =	vsel vm0, v6, v7;
	v43 =	vmul.f32 v19, v32  }
0xd6: {  	v4 =	vperm.xlane v41, v0;
	v5 =	vadd.f32 v42, v40;
	v36 =	vadd.f32 v34, v9  }
0xd7: {  	v6 =	vsel vm1, v6, v8;
	v8 =	vadd.f32 v38, v11;
	v12 =	vmul.f32 v35, v20  }
0xd8: {  	v44 =	vperm.xlane v43, v0;
	v4 =	vadd.f32 v4, v41;
	v47 =	vperm.xlane v5, v1;
	s0 =	spop (v2sf)  }
0xd9: {  	v6 =	vsel vm2, v6, v36;
	v45 =	vperm.xlane v8, v1;
	s31 =	spop (v2sf);
	v51 =	vld [tilespmem:s0+$0xD00];
	v9 =	vmul.f32 v39, v37  }
0xda: {  	v46 =	vperm.xlane v12, v0;
	v7 =	vadd.f32 v44, v43;
	v49 =	vperm.xlane v4, v1;
	v54 =	vld [tilespmem:s31+$0x8D00]  }
0xdb: {  	v5 =	vadd.f32 v47, v5;
	s0 =	spop (v2sf);
	v8 =	vadd.f32 v45, v8;
	v48 =	vperm.xlane v9, v0  }
0xdc: {  	s31 =	spop (v2sf);
	v57 =	vld [tilespmem:s0+$0xD80];
	v10 =	vadd.f32 v46, v12;
	v50 =	vperm.xlane v7, v1;
	v4 =	vadd.f32 v49, v4  }
0xdd: {  	v55 =	vperm.xlane v5, v2;
	v59 =	vld [tilespmem:s31+$0x8D80];
	v52 =	vperm.xlane v8, v2;
	v9 =	vadd.f32 v48, v9  }
0xde: {  	v53 =	vperm.xlane v10, v1;
	v7 =	vadd.f32 v50, v7;
	v58 =	vperm.xlane v4, v2  }
0xdf: {  	s0 =	spop (v2sf);
	v5 =	vadd.f32 v55, v5;
	v8 =	vadd.f32 v52, v8;
	v36 =	vmul.f32 v54, v51  }
0xe0: {  	s31 =	spop (v2sf);
	v61 =	vld [tilespmem:s0+$0xE00];
	v56 =	vperm.xlane v9, v1;
	v10 =	vadd.f32 v53, v10;
	v60 =	vperm.xlane v7, v2  }
0xe1: {  	s0 =	spop (v2sf);
	v24 =	vld [tilespmem:s31+$0x8E00];
	v25 =	vperm.xlane v5, v3;
	v62 =	vperm.xlane v8, v3  }
0xe2: {  	s31 =	spop (v2sf);
	v21 =	vld [tilespmem:s0+$0xE80];
	v4 =	vadd.f32 v58, v4;
	v39 =	vmul.f32 v59, v57;
	v63 =	vperm.xlane v10, v2  }
0xe3: {  	s0 =	spop (v2sf);
	v28 =	vld [tilespmem:s31+$0x8E80];
	v40 =	vperm.xlane v36, v0;
	v9 =	vadd.f32 v56, v9;
	v7 =	vadd.f32 v60, v7  }
0xe4: {  	s31 =	spop (v2sf);
	v30 =	vld [tilespmem:s0+$0xF00];
	v27 =	vperm.xlane v4, v3;
	v8 =	vadd.f32 v62, v8;
	v10 =	vadd.f32 v63, v10  }
0xe5: {  	v5 =	vadd.f32 v25, v5;
	v32 =	vld [tilespmem:s31+$0x8F00];
	v11 =	vperm.xlane v39, v0;
	v29 =	vperm.xlane v7, v3  }
0xe6: {  	s0 =	spop (v2sf);
	v4 =	vadd.f32 v27, v4;
	v6 =	vsel vm3, v6, v8;
	v31 =	vperm.xlane v10, v3  }
0xe7: {  	v35 =	vld [tilespmem:s0+$0xF80];
	s31 =	spop (v2sf);
	v26 =	vperm.xlane v9, v2;
	v5 =	vsel vm4, v6, v5;
	v33 =	vadd.f32 v29, v7  }
0xe8: {  	v37 =	vld [tilespmem:s31+$0x8F80];
	v41 =	vmul.f32 v28, v21;
	v4 =	vsel vm5, v5, v4;
	v5 =	vadd.f32 v31, v10  }
0xe9: {  	v8 =	vadd.f32 v40, v36;
	v9 =	vadd.f32 v26, v9;
	v4 =	vsel vm6, v4, v33  }
0xea: {  	v43 =	vmul.f32 v32, v30;
	v4 =	vsel vm7, v4, v5;
	v5 =	vmul.f32 v24, v61  }
0xeb: {  	v7 =	vadd.f32 v11, v39;
	v44 =	vperm.xlane v41, v0;
	v45 =	vperm.xlane v8, v1  }
0xec: {  	v34 =	vperm.xlane v9, v3;
	v42 =	vperm.xlane v5, v0  }
0xed: {  	v47 =	vperm.xlane v7, v1;
	v10 =	vmul.f32 v37, v35  }
0xee: {  	v46 =	vperm.xlane v43, v0;
	v6 =	vadd.f32 v44, v41;
	v5 =	vadd.f32 v42, v5  }
0xef: {  	v8 =	vadd.f32 v45, v8;
	v38 =	vadd.f32 v34, v9;
	v48 =	vperm.xlane v10, v0  }
0xf0: {  	v7 =	vadd.f32 v47, v7;
	v9 =	vadd.f32 v46, v43;
	v49 =	vperm.xlane v5, v1  }
0xf1: {  	v50 =	vperm.xlane v6, v1;
	v51 =	vperm.xlane v8, v2;
	v10 =	vadd.f32 v48, v10  }
0xf2: {  	v4 =	vsel vm8, v4, v38;
	v52 =	vperm.xlane v9, v1;
	v5 =	vadd.f32 v49, v5  }
0xf3: {  	v14 =	vperm.xlane v7, v2;
	v6 =	vadd.f32 v50, v6;
	v53 =	vperm.xlane v10, v1  }
0xf4: {  	v8 =	vadd.f32 v51, v8;
	v9 =	vadd.f32 v52, v9;
	v54 =	vperm.xlane v5, v2  }
0xf5: {  	v7 =	vadd.f32 v14, v7;
	v55 =	vperm.xlane v6, v2;
	v10 =	vadd.f32 v53, v10  }
0xf6: {  	v56 =	vperm.xlane v8, v3;
	v57 =	vperm.xlane v9, v2;
	v5 =	vadd.f32 v54, v5  }
0xf7: {  	v14 =	vperm.xlane v7, v3;
	v6 =	vadd.f32 v55, v6;
	v58 =	vperm.xlane v10, v2  }
0xf8: {  	v8 =	vadd.f32 v56, v8;
	v9 =	vadd.f32 v57, v9;
	v59 =	vperm.xlane v5, v3  }
0xf9: {  	v7 =	vadd.f32 v14, v7;
	v60 =	vperm.xlane v6, v3;
	v10 =	vadd.f32 v58, v10  }
0xfa: {  	v4 =	vsel vm9, v4, v8;
	v61 =	vperm.xlane v9, v3;
	v5 =	vadd.f32 v59, v5  }
0xfb: {  	v4 =	vsel vm10, v4, v7;
	v6 =	vadd.f32 v60, v6;
	v62 =	vperm.xlane v10, v3  }
0xfc: {  	v4 =	vsel vm11, v4, v5;
	v5 =	vadd.f32 v61, v9  }
0xfd: {  	v63 =	vadd.f32 v62, v10;
	v4 =	vsel vm12, v4, v6  }
0xfe: {  	v4 =	vsel vm13, v4, v5  }
0xff: {  	v4 =	vsel vm14, v4, v63  }
0x100: {  	v4 =	vsub.f32 $0.0e+00, v4;
	_ =	sdelay $0x1  }
0x101: {  	v4 =	vmul.f32 $1.442695020e+00, v4;
	_ =	sdelay $0x1  }
0x102: {  	(erf) = vpow2.f32 v4;
	_ =	sdelay $0x8  }
0x103: {  	v4 =	vpop (erf)  }
0x104: {  	v4 =	vadd.f32 $1.000000000e+00, v4;
	_ =	sdelay $0x1  }
0x105: {  	(erf) = vrcp.f32 v4;
	_ =	sdelay $0x4  }
0x106: {  	p0 =	sne.s32 s26, $0x1E000  }
.Ltmp2:
0x107: {  	_ = 	snop;
	(pc) =	sbr.rel @p0 .LBB2_6-.Ltmp2, $3  }
0x108: {  	_ =	sdelay $0x1  }
0x109: {  	s28 =	sadd.s32 $0x10, s28;
	v4 =	vpop (erf)  }
0x10a: {  	s29 =	sadd.s32 $0x10, s29;
	s26 =	sadd.s32 $0x2000, s26;
	[tilespmem:s30+$0x0] =	vst v4;
	s30 =	sadd.s32 $0x10, s30  }
0x10b: {  	s25 =	sadd.s32 $0x1, s25  }
0x10c: {  	p0 =	sne.s32 s25, s7  }
.Ltmp3:
0x10d: {  	_ = 	snop;
	(pc) =	sbr.rel @p0 .LBB2_1-.Ltmp3, $4  }
0x10e: {  	[hbm4b:s6+s1] =	stream.linear.scatter [tilespmem:s24], [sflag:$0x2], $0x200, $0x38;
	[tilespmem:$0x10A00] =	vst v63  }
0x10f: {  	_ =	swait.ge [sflag:s8], $0x200  }
0x110: {  	[sflag:s8] =	ssyncset.done $0x0  }
0x111: {  	[sflag:s8] =	ssyncadd.s32 $0xFFFFFE00  }
0x112: {  	_ =	sfence.sel $0x180000  }
0x113: {  	[bflag:$0x0] =	sbarrier.arrive $0xFFFF  }
0x114: {  	_ =	strace $0x90000047  }
0x115: {  	[bflag:$0x2] =	sbarrier.arrive $0xFFFF  }
0x116: {  	p0 =	sne.s32 s2, $0x0;
	s0 =	rddreg [dreg:$0x4]  }
0x117: {  	s0 =	sadd.s32 @!p0 $0x100000, s0  }
0x118: {  	[sflag:s0] =	ssyncadd.tile.s32 @!p0 $0x1;
	_ =	shalt  }
.Lfunc_end2:
_tile_overlayer_lowered:
.L_overlay_start_2:
0x119: {  	(tag) =	ssettag $0x2  }
0x11a: {  	s0 =	rddreg [dreg:$0x0];
	s2 =	stileid.u32  }
0x11b: {  	s1 =	rddreg [dreg:$0x1];
	p0 =	sne.s32 s2, $0x0  }
0x11c: {  	s3 =	rddreg [dreg:$0x2];
	[bflag:$0x3] =	sbarrier.arrive $0xFFFF;
	s2 =	simm.s32 @!p0 $0x1C02  }
0x11d: {  	[timem:s3], [sflag:s2] =	dma.local @!p0 [hbm:s0], s1  }
0x11e: {  	s0 =	simm.s32 @!p0 $0x2  }
0x11f: {  	_ =	swait.ge @!p0 [sflag:s0], s1  }
0x120: {  	s1 =	ssub.s32 @!p0 $0x0, s1;
	[sflag:s0] =	ssyncset.done @!p0 $0x0  }
0x121: {  	[sflag:s0] =	ssyncadd.s32 @!p0 s1  }
0x122: {  	[bflag:$0x3] =	sbarrier.arrive $0xFFFF  }
0x123: {  	_ =	shalt  }

</sc_bundles>
